<compile_context>
chip_gen: v7x
topology: tpu7x:2x2x1
jax: 0.10.2.dev20260603
libtpu: 0.0.44.dev20260713+nightly
codegen_flags: <defaults>
</compile_context>

<pallas_src>
import jax
import jax.numpy as jnp
from jax import lax
from jax.experimental import pallas as pl
from jax.experimental.pallas import tpu as pltpu
from jax.experimental.pallas import tpu_sc as plsc

N = 10000
P = 128
Q = 128
E = 320000

NC = 2
NS = 16
ESC = E // NC
EPT = ESC // NS
K = 80
BLK = 2000
CPB = BLK // K
NBLK = EPT // BLK
NR = 10240
ZR = NR // NS
WPT = 624
DEGW = 128


def _sc_body(h_hbm, src_hbm, dst_hbm, z_hbm, zd_hbm, o_hbm,
             sum_hbm, deg_hbm,
             src_blk, dst_blk, cdst, ones_v, rows0, rows1, gsem0, gsem1,
             acc, dacc):
    cid = lax.axis_index("c")
    sid = lax.axis_index("s")

    pltpu.sync_copy(z_hbm, acc.at[pl.ds(sid * ZR, ZR)])
    pltpu.sync_copy(o_hbm, ones_v)

    @pl.when(sid == 0)
    def _zdeg():
        pltpu.sync_copy(zd_hbm, dacc)

    plsc.subcore_barrier()

    def _block(b, _):
        base = cid * ESC + sid * EPT + b * BLK
        pltpu.sync_copy(src_hbm.at[pl.ds(base, BLK)], src_blk)
        pltpu.sync_copy(dst_hbm.at[pl.ds(base, BLK)], dst_blk)

        def _trow(r, _):
            for cc in range(K // 16):
                v = dst_blk[pl.ds(r * K + cc * 16, 16)]
                cdst[r, pl.ds(cc * 16, 16)] = v
            return 0
        lax.fori_loop(0, CPB, _trow, 0)

        pltpu.async_copy(h_hbm.at[src_blk.at[pl.ds(0, K)]], rows0, gsem0)
        pltpu.async_copy(h_hbm.at[src_blk.at[pl.ds(K, K)]], rows1, gsem1)

        def _step(c, buf, sem):
            pltpu.make_async_copy(
                h_hbm.at[src_blk.at[pl.ds(c * K, K)]], buf, sem).wait()
            pltpu.sync_copy(buf, acc.at[cdst.at[c]], add=True)
            pltpu.sync_copy(ones_v, dacc.at[cdst.at[c]], add=True)

            @pl.when(c + 2 < CPB)
            def _next():
                pltpu.async_copy(
                    h_hbm.at[src_blk.at[pl.ds((c + 2) * K, K)]], buf, sem)

        def _pair(p, _):
            _step(2 * p, rows0, gsem0)
            _step(2 * p + 1, rows1, gsem1)
            return 0
        lax.fori_loop(0, CPB // 2, _pair, 0)
        _step(CPB - 1, rows0, gsem0)
        return 0
    lax.fori_loop(0, NBLK, _block, 0)
    plsc.subcore_barrier()

    wlo = sid * WPT
    pltpu.sync_copy(acc.at[pl.ds(wlo, WPT)],
                    sum_hbm.at[pl.ds(cid * N + wlo, WPT)])

    @pl.when(sid == NS - 1)
    def _tail():
        t0 = NS * WPT
        pltpu.sync_copy(acc.at[pl.ds(t0, N - t0)],
                        sum_hbm.at[pl.ds(cid * N + t0, N - t0)])

    @pl.when(sid == 0)
    def _deg_out():
        pltpu.sync_copy(dacc, deg_hbm.at[pl.ds(cid * NR, NR)])


_sc_call = pl.kernel(
    _sc_body,
    out_type=[
        jax.ShapeDtypeStruct((NC * N, Q), jnp.float32),
        jax.ShapeDtypeStruct((NC * NR,), jnp.float32),
    ],
    mesh=plsc.VectorSubcoreMesh(
        core_axis_name="c", subcore_axis_name="s", num_cores=NC,
        num_subcores=NS),
    scratch_types=[
        pltpu.VMEM((BLK,), jnp.int32),
        pltpu.VMEM((BLK,), jnp.int32),
        pltpu.VMEM((CPB, K), jnp.int32),
        pltpu.VMEM((K,), jnp.float32),
        pltpu.VMEM((K, Q), jnp.float32),
        pltpu.VMEM((K, Q), jnp.float32),
        pltpu.SemaphoreType.DMA,
        pltpu.SemaphoreType.DMA,
        pltpu.VMEM_SHARED((NR, Q), jnp.float32),
        pltpu.VMEM_SHARED((NR,), jnp.float32),
    ],
)


BR = 1000


def _tc_body(u_ref, n0_ref, n1_ref, d_ref,
             wa1, wa2, wfc1, wfc2, wfh1, wfh2, wgc1, wgc2, wz1, wz2,
             ba_r, bfc_r, bfh_r, bgc_r, bz_r, out_ref):
    c = u_ref[:, :P]
    h = u_ref[:, P:]
    nsum = n0_ref[...] + n1_ref[...]
    deg = d_ref[...]
    mean = jnp.where(deg > 0, nsum / jnp.maximum(deg, 1.0), 0.0)

    def dot(a, b):
        return lax.dot_general(a, b, (((1,), (0,)), ((), ())),
                               preferred_element_type=jnp.float32)

    def sp(x):
        return jnp.maximum(x, 0.0) + jnp.log1p(jnp.exp(-jnp.abs(x)))

    h_ = sp(dot(h, wa1[...]) + dot(mean, wa2[...]) + ba_r[...])
    fc = sp(dot(c, wfc1[...]) + dot(h_, wfc2[...]) + bfc_r[...])
    gc = sp(dot(c, wgc1[...]) + dot(h_, wgc2[...]) + bgc_r[...])
    zz = jnp.tanh(dot(c, wz1[...]) + dot(h_, wz2[...]) + bz_r[...])
    fh = sp(dot(c, wfh1[...]) + dot(h_, wfh2[...]) + bfh_r[...])
    dc = gc * zz - fc * c
    dh = -fh * h
    dc = dc - (jnp.sum(dc * c, axis=1, keepdims=True)
               / jnp.sum(c * c, axis=1, keepdims=True)) * c
    out_ref[:, :P] = dc
    out_ref[:, P:] = dh


def _full(shape):
    return pl.BlockSpec(shape, lambda i: (0,) * len(shape))


_tc_call = pl.pallas_call(
    _tc_body,
    grid=(N // BR,),
    in_specs=[
        pl.BlockSpec((BR, P + Q), lambda i: (i, 0)),
        pl.BlockSpec((BR, Q), lambda i: (i, 0)),
        pl.BlockSpec((BR, Q), lambda i: (i + N // BR, 0)),
        pl.BlockSpec((BR, 1), lambda i: (i, 0)),
    ] + [_full((P, P))] * 10 + [_full((1, P))] * 5,
    out_specs=pl.BlockSpec((BR, P + Q), lambda i: (i, 0)),
    out_shape=jax.ShapeDtypeStruct((N, P + Q), jnp.float32),
)


@jax.jit
def kernel(t, u, edge_index, Wa, ba, Wfc, bfc, Wfh, bfh, Wgc, bgc, Wz, bz):
    del t
    h_tab = u.reshape(2 * N, Q)
    src_flat = edge_index[0] * 2 + 1
    dst_flat = edge_index[1]
    z = jnp.zeros((ZR, Q), jnp.float32)
    zd = jnp.zeros((NR,), jnp.float32)
    o = jnp.ones((K,), jnp.float32)
    nsum2, deg2 = _sc_call(h_tab, src_flat, dst_flat, z, zd, o)
    deg_col = (deg2[:NR] + deg2[NR:])[:N].reshape(N, 1)
    out = _tc_call(
        u, nsum2, nsum2, deg_col,
        Wa[:Q], Wa[Q:], Wfc[:P], Wfc[P:], Wfh[:P], Wfh[P:],
        Wgc[:P], Wgc[P:], Wz[:P], Wz[P:],
        ba.reshape(1, Q), bfc.reshape(1, P), bfh.reshape(1, Q),
        bgc.reshape(1, P), bz.reshape(1, P),
    )
    return out

# --- scband reference (transcript-rebuilt; emitter-appended) ---
"""Pipeline reference for scband-odefunc-4827543241218 (READ-ONLY COPY).

The authoritative reference and input builder live on the scoring server;
editing this copy changes nothing except your own understanding.
"""

import jax, jax.numpy as jnp
import numpy as np

P = 128
Q = 128
N = 10000
E = 320000


def _lin_params(key, fan_in, fan_out):
    W = 0.1 * jax.random.normal(key, (fan_in, fan_out), dtype=jnp.float32)
    b = jnp.zeros((fan_out,), dtype=jnp.float32)
    return W, b


def setup_inputs(seed: int = 0) -> dict:
    key = jax.random.key(seed)
    ks = jax.random.split(key, 10)
    u = jax.random.normal(ks[0], (N, P + Q), dtype=jnp.float32)
    edge_index = jax.random.randint(ks[1], (2, E), 0, N)
    t = jnp.zeros((), dtype=jnp.float32)
    Wa, ba = _lin_params(ks[2], 2 * Q, Q)
    Wfc, bfc = _lin_params(ks[3], P + Q, P)
    Wfh, bfh = _lin_params(ks[4], P + Q, Q)
    Wgc, bgc = _lin_params(ks[5], P + Q, P)
    Wz, bz = _lin_params(ks[6], P + Q, P)
    return {
        "t": t, "u": u, "edge_index": edge_index,
        "Wa": Wa, "ba": ba,
        "Wfc": Wfc, "bfc": bfc,
        "Wfh": Wfh, "bfh": bfh,
        "Wgc": Wgc, "bgc": bgc,
        "Wz": Wz, "bz": bz,
    }


def reference(t, u, edge_index, Wa, ba, Wfc, bfc, Wfh, bfh, Wgc, bgc, Wz, bz):
    sp = jax.nn.softplus
    c = u[:, :P]
    h = u[:, P:]
    src = edge_index[0]
    dst = edge_index[1]
    # neighbor mean aggregation (zeros for isolated nodes), the graph analogue of
    # aggregate_func(h[neighbors(i)]) in the torch module
    msg = jnp.take(h, src, axis=0)                     # gather [E, Q]
    nbr_sum = jax.ops.segment_sum(msg, dst, num_segments=N)
    deg = jax.ops.segment_sum(jnp.ones((E, 1), dtype=jnp.float32), dst, num_segments=N)
    nbr_mean = jnp.where(deg > 0, nbr_sum / jnp.maximum(deg, 1.0), 0.0)
    h_ = sp(jnp.concatenate([h, nbr_mean], axis=1) @ Wa + ba)   # A(...)
    u_ = jnp.concatenate([c, h_], axis=1)
    dc = -sp(u_ @ Wfc + bfc) * c + sp(u_ @ Wgc + bgc) * jnp.tanh(u_ @ Wz + bz)
    dh = -sp(u_ @ Wfh + bfh) * h
    dc = dc - jnp.sum(dc * c, axis=1, keepdims=True) / jnp.sum(c * c, axis=1, keepdims=True) * c
    return jnp.concatenate([dc, dh], axis=1)

if __name__ == "__main__":
    import jax
    _d = setup_inputs()
    print(jax.jit(kernel)(*tuple(_d.values())))

</pallas_src>

<mosaic_0001>
#map = affine_map<(d0, d1) -> (0, 0)>
#map1 = affine_map<(d0, d1) -> (0)>
module attributes {stable_mosaic.version = 14 : i64} {
  func.func @_sc_body(%arg0: i32, %arg1: i32, %arg2: memref<20000x128xf32, #tpu.memory_space<hbm>>, %arg3: memref<320000xi32, #tpu.memory_space<hbm>>, %arg4: memref<320000xi32, #tpu.memory_space<hbm>>, %arg5: memref<640x128xf32, #tpu.memory_space<hbm>>, %arg6: memref<10240xf32, #tpu.memory_space<hbm>>, %arg7: memref<80xf32, #tpu.memory_space<hbm>>, %arg8: memref<20000x128xf32, #tpu.memory_space<hbm>>, %arg9: memref<20480xf32, #tpu.memory_space<hbm>>, %arg10: memref<2000xi32, #tpu.memory_space<vmem>>, %arg11: memref<2000xi32, #tpu.memory_space<vmem>>, %arg12: memref<25x80xi32, #tpu.memory_space<vmem>>, %arg13: memref<80xf32, #tpu.memory_space<vmem>>, %arg14: memref<80x128xf32, #tpu.memory_space<vmem>>, %arg15: memref<80x128xf32, #tpu.memory_space<vmem>>, %arg16: memref<!tpu.dma_semaphore, #tpu.memory_space<semaphore_mem>>, %arg17: memref<!tpu.dma_semaphore, #tpu.memory_space<semaphore_mem>>, %arg18: memref<10240x128xf32, #tpu.memory_space<vmem_shared>>, %arg19: memref<10240xf32, #tpu.memory_space<vmem_shared>>) attributes {dimension_semantics = [#tpu.dimension_semantics<core_parallel>, #tpu.dimension_semantics<subcore_parallel>], iteration_bounds = array<i64: 2, 16>, scalar_prefetch = 0 : i64, scratch_operands = 10 : i64, tpu.core_type = #tpu.core_type<sc_vector_subcore>, window_params = [{transform_indices = #map}, {transform_indices = #map1}, {transform_indices = #map1}, {transform_indices = #map}, {transform_indices = #map1}, {transform_indices = #map1}, {transform_indices = #map}, {transform_indices = #map1}]} {
    %mul3A = arith.constant 640 : i32
    %mul3A_0 = arith.muli %arg1, %mul3A : i32
    "tpu.region"() ({
      %run_scoped3A = tpu.sem_alloc : memref<!tpu.dma_semaphore, #tpu.memory_space<semaphore_mem>>
      %dma_start3A = arith.constant 0 : i32
      %dma_start3A_24 = tpu.memref_slice %arg18[%mul3A_0, %dma_start3A] : memref<10240x128xf32, #tpu.memory_space<vmem_shared>> -> memref<640x128xf32, #tpu.memory_space<vmem_shared>>
      tpu.enqueue_dma source(%arg5 : memref<640x128xf32, #tpu.memory_space<hbm>>) target(%dma_start3A_24 : memref<640x128xf32, #tpu.memory_space<vmem_shared>>) target_semaphore(%run_scoped3A : memref<!tpu.dma_semaphore, #tpu.memory_space<semaphore_mem>>)
      %dma_wait3A = arith.constant 0 : i32
      %dma_wait3A_25 = tpu.memref_slice %arg18[%mul3A_0, %dma_wait3A] : memref<10240x128xf32, #tpu.memory_space<vmem_shared>> -> memref<640x128xf32, #tpu.memory_space<vmem_shared>>
      tpu.wait_dma2 semaphore(%run_scoped3A : memref<!tpu.dma_semaphore, #tpu.memory_space<semaphore_mem>>) src(%arg5 : memref<640x128xf32, #tpu.memory_space<hbm>>) dst(%dma_wait3A_25 : memref<640x128xf32, #tpu.memory_space<vmem_shared>>)
      tpu.yield
    }) : () -> ()
    "tpu.region"() ({
      %run_scoped3A = tpu.sem_alloc : memref<!tpu.dma_semaphore, #tpu.memory_space<semaphore_mem>>
      tpu.enqueue_dma source(%arg7 : memref<80xf32, #tpu.memory_space<hbm>>) target(%arg13 : memref<80xf32, #tpu.memory_space<vmem>>) target_semaphore(%run_scoped3A : memref<!tpu.dma_semaphore, #tpu.memory_space<semaphore_mem>>)
      tpu.wait_dma2 semaphore(%run_scoped3A : memref<!tpu.dma_semaphore, #tpu.memory_space<semaphore_mem>>) src(%arg7 : memref<80xf32, #tpu.memory_space<hbm>>) dst(%arg13 : memref<80xf32, #tpu.memory_space<vmem>>)
      tpu.yield
    }) : () -> ()
    %eq3A = arith.constant 0 : i32
    %eq3A_1 = arith.cmpi eq, %arg1, %eq3A : i32
    %convert_element_type3A = arith.extui %eq3A_1 : i1 to i32
    %cond3A = arith.constant 0 : i32
    %cond3A_2 = arith.cmpi ne, %convert_element_type3A, %cond3A : i32
    scf.if %cond3A_2 {
      "tpu.region"() ({
        %run_scoped3A = tpu.sem_alloc : memref<!tpu.dma_semaphore, #tpu.memory_space<semaphore_mem>>
        tpu.enqueue_dma source(%arg6 : memref<10240xf32, #tpu.memory_space<hbm>>) target(%arg19 : memref<10240xf32, #tpu.memory_space<vmem_shared>>) target_semaphore(%run_scoped3A : memref<!tpu.dma_semaphore, #tpu.memory_space<semaphore_mem>>)
        tpu.wait_dma2 semaphore(%run_scoped3A : memref<!tpu.dma_semaphore, #tpu.memory_space<semaphore_mem>>) src(%arg6 : memref<10240xf32, #tpu.memory_space<hbm>>) dst(%arg19 : memref<10240xf32, #tpu.memory_space<vmem_shared>>)
        tpu.yield
      }) : () -> ()
    } else {
    }
    %barrier3A = arith.constant 0 : index
    tpu.barrier barrier_id(%barrier3A)
    %scan3A = arith.constant 0 : i32
    %scan3A_3 = arith.constant 0 : i32
    %scan3A_4 = arith.constant 5 : i32
    %scan3A_5 = arith.addi %scan3A_3, %scan3A_4 : i32
    %scan3A_6 = arith.constant 1 : i32
    %scan3A_7 = scf.for %scan3A_24 = %scan3A_3 to %scan3A_5 step %scan3A_6 iter_args(%scan3A_25 = %scan3A) -> (i32)  : i32 {
      %mul3A_26 = arith.constant 160000 : i32
      %mul3A_27 = arith.muli %arg0, %mul3A_26 : i32
      %mul3A_28 = arith.constant 10000 : i32
      %mul3A_29 = arith.muli %arg1, %mul3A_28 : i32
      %add3A_30 = arith.addi %mul3A_27, %mul3A_29 : i32
      %mul3A_31 = arith.constant 2000 : i32
      %mul3A_32 = arith.muli %scan3A_24, %mul3A_31 : i32
      %add3A_33 = arith.addi %add3A_30, %mul3A_32 : i32
      "tpu.region"() ({
        %run_scoped3A_63 = tpu.sem_alloc : memref<!tpu.dma_semaphore, #tpu.memory_space<semaphore_mem>>
        %dma_start3A_64 = tpu.memref_slice %arg3[%add3A_33] : memref<320000xi32, #tpu.memory_space<hbm>> -> memref<2000xi32, #tpu.memory_space<hbm>>
        %dma_start3A_65 = tpu.memref_slice %arg3[%add3A_33] : memref<320000xi32, #tpu.memory_space<hbm>> -> memref<2000xi32, #tpu.memory_space<hbm>>
        tpu.enqueue_dma source(%dma_start3A_65 : memref<2000xi32, #tpu.memory_space<hbm>>) target(%arg10 : memref<2000xi32, #tpu.memory_space<vmem>>) target_semaphore(%run_scoped3A_63 : memref<!tpu.dma_semaphore, #tpu.memory_space<semaphore_mem>>)
        %dma_wait3A_66 = tpu.memref_slice %arg3[%add3A_33] : memref<320000xi32, #tpu.memory_space<hbm>> -> memref<2000xi32, #tpu.memory_space<hbm>>
        %dma_wait3A_67 = tpu.memref_slice %arg3[%add3A_33] : memref<320000xi32, #tpu.memory_space<hbm>> -> memref<2000xi32, #tpu.memory_space<hbm>>
        tpu.wait_dma2 semaphore(%run_scoped3A_63 : memref<!tpu.dma_semaphore, #tpu.memory_space<semaphore_mem>>) src(%dma_wait3A_67 : memref<2000xi32, #tpu.memory_space<hbm>>) dst(%arg10 : memref<2000xi32, #tpu.memory_space<vmem>>)
        tpu.yield
      }) : () -> ()
      "tpu.region"() ({
        %run_scoped3A_63 = tpu.sem_alloc : memref<!tpu.dma_semaphore, #tpu.memory_space<semaphore_mem>>
        %dma_start3A_64 = tpu.memref_slice %arg4[%add3A_33] : memref<320000xi32, #tpu.memory_space<hbm>> -> memref<2000xi32, #tpu.memory_space<hbm>>
        %dma_start3A_65 = tpu.memref_slice %arg4[%add3A_33] : memref<320000xi32, #tpu.memory_space<hbm>> -> memref<2000xi32, #tpu.memory_space<hbm>>
        tpu.enqueue_dma source(%dma_start3A_65 : memref<2000xi32, #tpu.memory_space<hbm>>) target(%arg11 : memref<2000xi32, #tpu.memory_space<vmem>>) target_semaphore(%run_scoped3A_63 : memref<!tpu.dma_semaphore, #tpu.memory_space<semaphore_mem>>)
        %dma_wait3A_66 = tpu.memref_slice %arg4[%add3A_33] : memref<320000xi32, #tpu.memory_space<hbm>> -> memref<2000xi32, #tpu.memory_space<hbm>>
        %dma_wait3A_67 = tpu.memref_slice %arg4[%add3A_33] : memref<320000xi32, #tpu.memory_space<hbm>> -> memref<2000xi32, #tpu.memory_space<hbm>>
        tpu.wait_dma2 semaphore(%run_scoped3A_63 : memref<!tpu.dma_semaphore, #tpu.memory_space<semaphore_mem>>) src(%dma_wait3A_67 : memref<2000xi32, #tpu.memory_space<hbm>>) dst(%arg11 : memref<2000xi32, #tpu.memory_space<vmem>>)
        tpu.yield
      }) : () -> ()
      %scan3A_34 = arith.constant 0 : i32
      %scan3A_35 = arith.constant 0 : i32
      %scan3A_36 = arith.constant 25 : i32
      %scan3A_37 = arith.addi %scan3A_35, %scan3A_36 : i32
      %scan3A_38 = arith.constant 1 : i32
      %scan3A_39 = scf.for %scan3A_63 = %scan3A_35 to %scan3A_37 step %scan3A_38 iter_args(%scan3A_64 = %scan3A_34) -> (i32)  : i32 {
        %mul3A_65 = arith.constant 80 : i32
        %mul3A_66 = arith.muli %scan3A_63, %mul3A_65 : i32
        %add3A_67 = arith.constant 0 : i32
        %add3A_68 = arith.addi %mul3A_66, %add3A_67 : i32
        %get3A = arith.index_cast %add3A_68 : i32 to index
        %get3A_69 = tpu.vector_load %arg11[%get3A] {strides = array<i32>} : memref<2000xi32, #tpu.memory_space<vmem>>, vector<16xi32>,
        %get3A_70 = vector.shape_cast %get3A_69 : vector<16xi32> to vector<16xi32>
        %swap3A = arith.index_cast %scan3A_63 : i32 to index
        %swap3A_71 = arith.constant 0 : index
        %swap3A_72 = tpu.vector_load %arg12[%swap3A, %swap3A_71] {strides = array<i32>} : memref<25x80xi32, #tpu.memory_space<vmem>>, vector<1x16xi32>,
        %swap3A_73 = vector.shape_cast %swap3A_72 : vector<1x16xi32> to vector<16xi32>
        %swap3A_74 = vector.shape_cast %get3A_70 : vector<16xi32> to vector<1x16xi32>
        tpu.vector_store %arg12[%swap3A, %swap3A_71], %swap3A_74 {strides = array<i32>} : memref<25x80xi32, #tpu.memory_space<vmem>>, vector<1x16xi32>,
        %mul3A_75 = arith.constant 80 : i32
        %mul3A_76 = arith.muli %scan3A_63, %mul3A_75 : i32
        %add3A_77 = arith.constant 16 : i32
        %add3A_78 = arith.addi %mul3A_76, %add3A_77 : i32
        %get3A_79 = arith.index_cast %add3A_78 : i32 to index
        %get3A_80 = tpu.vector_load %arg11[%get3A_79] {strides = array<i32>} : memref<2000xi32, #tpu.memory_space<vmem>>, vector<16xi32>,
        %get3A_81 = vector.shape_cast %get3A_80 : vector<16xi32> to vector<16xi32>
        %swap3A_82 = arith.index_cast %scan3A_63 : i32 to index
        %swap3A_83 = arith.constant 16 : index
        %swap3A_84 = tpu.vector_load %arg12[%swap3A_82, %swap3A_83] {strides = array<i32>} : memref<25x80xi32, #tpu.memory_space<vmem>>, vector<1x16xi32>,
        %swap3A_85 = vector.shape_cast %swap3A_84 : vector<1x16xi32> to vector<16xi32>
        %swap3A_86 = vector.shape_cast %get3A_81 : vector<16xi32> to vector<1x16xi32>
        tpu.vector_store %arg12[%swap3A_82, %swap3A_83], %swap3A_86 {strides = array<i32>} : memref<25x80xi32, #tpu.memory_space<vmem>>, vector<1x16xi32>,
        %mul3A_87 = arith.constant 80 : i32
        %mul3A_88 = arith.muli %scan3A_63, %mul3A_87 : i32
        %add3A_89 = arith.constant 32 : i32
        %add3A_90 = arith.addi %mul3A_88, %add3A_89 : i32
        %get3A_91 = arith.index_cast %add3A_90 : i32 to index
        %get3A_92 = tpu.vector_load %arg11[%get3A_91] {strides = array<i32>} : memref<2000xi32, #tpu.memory_space<vmem>>, vector<16xi32>,
        %get3A_93 = vector.shape_cast %get3A_92 : vector<16xi32> to vector<16xi32>
        %swap3A_94 = arith.index_cast %scan3A_63 : i32 to index
        %swap3A_95 = arith.constant 32 : index
        %swap3A_96 = tpu.vector_load %arg12[%swap3A_94, %swap3A_95] {strides = array<i32>} : memref<25x80xi32, #tpu.memory_space<vmem>>, vector<1x16xi32>,
        %swap3A_97 = vector.shape_cast %swap3A_96 : vector<1x16xi32> to vector<16xi32>
        %swap3A_98 = vector.shape_cast %get3A_93 : vector<16xi32> to vector<1x16xi32>
        tpu.vector_store %arg12[%swap3A_94, %swap3A_95], %swap3A_98 {strides = array<i32>} : memref<25x80xi32, #tpu.memory_space<vmem>>, vector<1x16xi32>,
        %mul3A_99 = arith.constant 80 : i32
        %mul3A_100 = arith.muli %scan3A_63, %mul3A_99 : i32
        %add3A_101 = arith.constant 48 : i32
        %add3A_102 = arith.addi %mul3A_100, %add3A_101 : i32
        %get3A_103 = arith.index_cast %add3A_102 : i32 to index
        %get3A_104 = tpu.vector_load %arg11[%get3A_103] {strides = array<i32>} : memref<2000xi32, #tpu.memory_space<vmem>>, vector<16xi32>,
        %get3A_105 = vector.shape_cast %get3A_104 : vector<16xi32> to vector<16xi32>
        %swap3A_106 = arith.index_cast %scan3A_63 : i32 to index
        %swap3A_107 = arith.constant 48 : index
        %swap3A_108 = tpu.vector_load %arg12[%swap3A_106, %swap3A_107] {strides = array<i32>} : memref<25x80xi32, #tpu.memory_space<vmem>>, vector<1x16xi32>,
        %swap3A_109 = vector.shape_cast %swap3A_108 : vector<1x16xi32> to vector<16xi32>
        %swap3A_110 = vector.shape_cast %get3A_105 : vector<16xi32> to vector<1x16xi32>
        tpu.vector_store %arg12[%swap3A_106, %swap3A_107], %swap3A_110 {strides = array<i32>} : memref<25x80xi32, #tpu.memory_space<vmem>>, vector<1x16xi32>,
        %mul3A_111 = arith.constant 80 : i32
        %mul3A_112 = arith.muli %scan3A_63, %mul3A_111 : i32
        %add3A_113 = arith.constant 64 : i32
        %add3A_114 = arith.addi %mul3A_112, %add3A_113 : i32
        %get3A_115 = arith.index_cast %add3A_114 : i32 to index
        %get3A_116 = tpu.vector_load %arg11[%get3A_115] {strides = array<i32>} : memref<2000xi32, #tpu.memory_space<vmem>>, vector<16xi32>,
        %get3A_117 = vector.shape_cast %get3A_116 : vector<16xi32> to vector<16xi32>
        %swap3A_118 = arith.index_cast %scan3A_63 : i32 to index
        %swap3A_119 = arith.constant 64 : index
        %swap3A_120 = tpu.vector_load %arg12[%swap3A_118, %swap3A_119] {strides = array<i32>} : memref<25x80xi32, #tpu.memory_space<vmem>>, vector<1x16xi32>,
        %swap3A_121 = vector.shape_cast %swap3A_120 : vector<1x16xi32> to vector<16xi32>
        %swap3A_122 = vector.shape_cast %get3A_117 : vector<16xi32> to vector<1x16xi32>
        tpu.vector_store %arg12[%swap3A_118, %swap3A_119], %swap3A_122 {strides = array<i32>} : memref<25x80xi32, #tpu.memory_space<vmem>>, vector<1x16xi32>,
        %scan3A_123 = arith.constant 0 : i32
        scf.yield %scan3A_123 : i32
      }
      %scan3A_40 = arith.constant 25 : i32
      %dma_start3A = arith.constant 0 : i32
      %dma_start3A_41 = tpu.memref_slice %arg10[%dma_start3A] : memref<2000xi32, #tpu.memory_space<vmem>> -> memref<80xi32, #tpu.memory_space<vmem>>
      %dma_start3A_42 = arith.constant 0 : i32
      %dma_start3A_43 = arith.constant 0 : i32
      %dma_start3A_44 = tpu.memref_slice %arg2[%dma_start3A_42, %dma_start3A_43] : memref<20000x128xf32, #tpu.memory_space<hbm>> -> memref<20000x128xf32, #tpu.memory_space<hbm>>
      tpu.enqueue_indirect_dma source(%dma_start3A_44 : memref<20000x128xf32, #tpu.memory_space<hbm>>) target(%arg14 : memref<80x128xf32, #tpu.memory_space<vmem>>) offsets(%dma_start3A_41 : memref<80xi32, #tpu.memory_space<vmem>>) semaphore(%arg16 : memref<!tpu.dma_semaphore, #tpu.memory_space<semaphore_mem>>)
      %dma_start3A_45 = arith.constant 80 : i32
      %dma_start3A_46 = tpu.memref_slice %arg10[%dma_start3A_45] : memref<2000xi32, #tpu.memory_space<vmem>> -> memref<80xi32, #tpu.memory_space<vmem>>
      %dma_start3A_47 = arith.constant 0 : i32
      %dma_start3A_48 = arith.constant 0 : i32
      %dma_start3A_49 = tpu.memref_slice %arg2[%dma_start3A_47, %dma_start3A_48] : memref<20000x128xf32, #tpu.memory_space<hbm>> -> memref<20000x128xf32, #tpu.memory_space<hbm>>
      tpu.enqueue_indirect_dma source(%dma_start3A_49 : memref<20000x128xf32, #tpu.memory_space<hbm>>) target(%arg15 : memref<80x128xf32, #tpu.memory_space<vmem>>) offsets(%dma_start3A_46 : memref<80xi32, #tpu.memory_space<vmem>>) semaphore(%arg17 : memref<!tpu.dma_semaphore, #tpu.memory_space<semaphore_mem>>)
      %scan3A_50 = arith.constant 0 : i32
      %scan3A_51 = arith.constant 0 : i32
      %scan3A_52 = arith.constant 12 : i32
      %scan3A_53 = arith.addi %scan3A_51, %scan3A_52 : i32
      %scan3A_54 = arith.constant 1 : i32
      %scan3A_55 = scf.for %scan3A_63 = %scan3A_51 to %scan3A_53 step %scan3A_54 iter_args(%scan3A_64 = %scan3A_50) -> (i32)  : i32 {
        %mul3A_65 = arith.constant 2 : i32
        %mul3A_66 = arith.muli %mul3A_65, %scan3A_63 : i32
        %mul3A_67 = arith.constant 80 : i32
        %mul3A_68 = arith.muli %mul3A_66, %mul3A_67 : i32
        %dma_wait3A_69 = tpu.memref_slice %arg10[%mul3A_68] : memref<2000xi32, #tpu.memory_space<vmem>> -> memref<80xi32, #tpu.memory_space<vmem>>
        %dma_wait3A_70 = arith.constant 0 : i32
        %dma_wait3A_71 = arith.constant 0 : i32
        %dma_wait3A_72 = tpu.memref_slice %arg2[%dma_wait3A_70, %dma_wait3A_71] : memref<20000x128xf32, #tpu.memory_space<hbm>> -> memref<20000x128xf32, #tpu.memory_space<hbm>>
        tpu.wait_indirect_dma semaphore(%arg16 : memref<!tpu.dma_semaphore, #tpu.memory_space<semaphore_mem>>) src(%dma_wait3A_72 : memref<20000x128xf32, #tpu.memory_space<hbm>>) dst(%arg14 : memref<80x128xf32, #tpu.memory_space<vmem>>)
        "tpu.region"() ({
          %run_scoped3A_97 = tpu.sem_alloc : memref<!tpu.dma_semaphore, #tpu.memory_space<semaphore_mem>>
          %dma_start3A_98 = arith.constant 0 : i32
          %dma_start3A_99 = tpu.memref_slice %arg12[%mul3A_66, %dma_start3A_98] : memref<25x80xi32, #tpu.memory_space<vmem>> -> memref<1x80xi32, #tpu.memory_space<vmem>>
          %dma_start3A_100 = tpu.memref_squeeze %dma_start3A_99 : memref<1x80xi32, #tpu.memory_space<vmem>> -> memref<80xi32, #tpu.memory_space<vmem>>
          %dma_start3A_101 = arith.constant 0 : i32
          %dma_start3A_102 = arith.constant 0 : i32
          %dma_start3A_103 = tpu.memref_slice %arg18[%dma_start3A_101, %dma_start3A_102] : memref<10240x128xf32, #tpu.memory_space<vmem_shared>> -> memref<10240x128xf32, #tpu.memory_space<vmem_shared>>
          tpu.enqueue_indirect_dma source(%arg14 : memref<80x128xf32, #tpu.memory_space<vmem>>) target(%dma_start3A_103 : memref<10240x128xf32, #tpu.memory_space<vmem_shared>>) offsets(%dma_start3A_100 : memref<80xi32, #tpu.memory_space<vmem>>) semaphore(%run_scoped3A_97 : memref<!tpu.dma_semaphore, #tpu.memory_space<semaphore_mem>>) {add = true}
          %dma_wait3A_104 = arith.constant 0 : i32
          %dma_wait3A_105 = tpu.memref_slice %arg12[%mul3A_66, %dma_wait3A_104] : memref<25x80xi32, #tpu.memory_space<vmem>> -> memref<1x80xi32, #tpu.memory_space<vmem>>
          %dma_wait3A_106 = tpu.memref_squeeze %dma_wait3A_105 : memref<1x80xi32, #tpu.memory_space<vmem>> -> memref<80xi32, #tpu.memory_space<vmem>>
          %dma_wait3A_107 = arith.constant 0 : i32
          %dma_wait3A_108 = arith.constant 0 : i32
          %dma_wait3A_109 = tpu.memref_slice %arg18[%dma_wait3A_107, %dma_wait3A_108] : memref<10240x128xf32, #tpu.memory_space<vmem_shared>> -> memref<10240x128xf32, #tpu.memory_space<vmem_shared>>
          tpu.wait_indirect_dma semaphore(%run_scoped3A_97 : memref<!tpu.dma_semaphore, #tpu.memory_space<semaphore_mem>>) src(%arg14 : memref<80x128xf32, #tpu.memory_space<vmem>>) dst(%dma_wait3A_109 : memref<10240x128xf32, #tpu.memory_space<vmem_shared>>)
          tpu.yield
        }) : () -> ()
        "tpu.region"() ({
          %run_scoped3A_97 = tpu.sem_alloc : memref<!tpu.dma_semaphore, #tpu.memory_space<semaphore_mem>>
          %dma_start3A_98 = arith.constant 0 : i32
          %dma_start3A_99 = tpu.memref_slice %arg12[%mul3A_66, %dma_start3A_98] : memref<25x80xi32, #tpu.memory_space<vmem>> -> memref<1x80xi32, #tpu.memory_space<vmem>>
          %dma_start3A_100 = tpu.memref_squeeze %dma_start3A_99 : memref<1x80xi32, #tpu.memory_space<vmem>> -> memref<80xi32, #tpu.memory_space<vmem>>
          %dma_start3A_101 = arith.constant 0 : i32
          %dma_start3A_102 = tpu.memref_slice %arg19[%dma_start3A_101] : memref<10240xf32, #tpu.memory_space<vmem_shared>> -> memref<10240xf32, #tpu.memory_space<vmem_shared>>
          tpu.enqueue_indirect_dma source(%arg13 : memref<80xf32, #tpu.memory_space<vmem>>) target(%dma_start3A_102 : memref<10240xf32, #tpu.memory_space<vmem_shared>>) offsets(%dma_start3A_100 : memref<80xi32, #tpu.memory_space<vmem>>) semaphore(%run_scoped3A_97 : memref<!tpu.dma_semaphore, #tpu.memory_space<semaphore_mem>>) {add = true}
          %dma_wait3A_103 = arith.constant 0 : i32
          %dma_wait3A_104 = tpu.memref_slice %arg12[%mul3A_66, %dma_wait3A_103] : memref<25x80xi32, #tpu.memory_space<vmem>> -> memref<1x80xi32, #tpu.memory_space<vmem>>
          %dma_wait3A_105 = tpu.memref_squeeze %dma_wait3A_104 : memref<1x80xi32, #tpu.memory_space<vmem>> -> memref<80xi32, #tpu.memory_space<vmem>>
          %dma_wait3A_106 = arith.constant 0 : i32
          %dma_wait3A_107 = tpu.memref_slice %arg19[%dma_wait3A_106] : memref<10240xf32, #tpu.memory_space<vmem_shared>> -> memref<10240xf32, #tpu.memory_space<vmem_shared>>
          tpu.wait_indirect_dma semaphore(%run_scoped3A_97 : memref<!tpu.dma_semaphore, #tpu.memory_space<semaphore_mem>>) src(%arg13 : memref<80xf32, #tpu.memory_space<vmem>>) dst(%dma_wait3A_107 : memref<10240xf32, #tpu.memory_space<vmem_shared>>)
          tpu.yield
        }) : () -> ()
        %add3A_73 = arith.constant 2 : i32
        %add3A_74 = arith.addi %mul3A_66, %add3A_73 : i32
        %lt3A = arith.constant 25 : i32
        %lt3A_75 = arith.cmpi slt, %add3A_74, %lt3A : i32
        %convert_element_type3A_76 = arith.extui %lt3A_75 : i1 to i32
        %cond3A_77 = arith.constant 0 : i32
        %cond3A_78 = arith.cmpi ne, %convert_element_type3A_76, %cond3A_77 : i32
        scf.if %cond3A_78 {
          %add3A_97 = arith.constant 2 : i32
          %add3A_98 = arith.addi %mul3A_66, %add3A_97 : i32
          %mul3A_99 = arith.constant 80 : i32
          %mul3A_100 = arith.muli %add3A_98, %mul3A_99 : i32
          %dma_start3A_101 = tpu.memref_slice %arg10[%mul3A_100] : memref<2000xi32, #tpu.memory_space<vmem>> -> memref<80xi32, #tpu.memory_space<vmem>>
          %dma_start3A_102 = arith.constant 0 : i32
          %dma_start3A_103 = arith.constant 0 : i32
          %dma_start3A_104 = tpu.memref_slice %arg2[%dma_start3A_102, %dma_start3A_103] : memref<20000x128xf32, #tpu.memory_space<hbm>> -> memref<20000x128xf32, #tpu.memory_space<hbm>>
          tpu.enqueue_indirect_dma source(%dma_start3A_104 : memref<20000x128xf32, #tpu.memory_space<hbm>>) target(%arg14 : memref<80x128xf32, #tpu.memory_space<vmem>>) offsets(%dma_start3A_101 : memref<80xi32, #tpu.memory_space<vmem>>) semaphore(%arg16 : memref<!tpu.dma_semaphore, #tpu.memory_space<semaphore_mem>>)
        } else {
        }
        %mul3A_79 = arith.constant 2 : i32
        %mul3A_80 = arith.muli %mul3A_79, %scan3A_63 : i32
        %add3A_81 = arith.constant 1 : i32
        %add3A_82 = arith.addi %mul3A_80, %add3A_81 : i32
        %mul3A_83 = arith.constant 80 : i32
        %mul3A_84 = arith.muli %add3A_82, %mul3A_83 : i32
        %dma_wait3A_85 = tpu.memref_slice %arg10[%mul3A_84] : memref<2000xi32, #tpu.memory_space<vmem>> -> memref<80xi32, #tpu.memory_space<vmem>>
        %dma_wait3A_86 = arith.constant 0 : i32
        %dma_wait3A_87 = arith.constant 0 : i32
        %dma_wait3A_88 = tpu.memref_slice %arg2[%dma_wait3A_86, %dma_wait3A_87] : memref<20000x128xf32, #tpu.memory_space<hbm>> -> memref<20000x128xf32, #tpu.memory_space<hbm>>
        tpu.wait_indirect_dma semaphore(%arg17 : memref<!tpu.dma_semaphore, #tpu.memory_space<semaphore_mem>>) src(%dma_wait3A_88 : memref<20000x128xf32, #tpu.memory_space<hbm>>) dst(%arg15 : memref<80x128xf32, #tpu.memory_space<vmem>>)
        "tpu.region"() ({
          %run_scoped3A_97 = tpu.sem_alloc : memref<!tpu.dma_semaphore, #tpu.memory_space<semaphore_mem>>
          %dma_start3A_98 = arith.constant 0 : i32
          %dma_start3A_99 = tpu.memref_slice %arg12[%add3A_82, %dma_start3A_98] : memref<25x80xi32, #tpu.memory_space<vmem>> -> memref<1x80xi32, #tpu.memory_space<vmem>>
          %dma_start3A_100 = tpu.memref_squeeze %dma_start3A_99 : memref<1x80xi32, #tpu.memory_space<vmem>> -> memref<80xi32, #tpu.memory_space<vmem>>
          %dma_start3A_101 = arith.constant 0 : i32
          %dma_start3A_102 = arith.constant 0 : i32
          %dma_start3A_103 = tpu.memref_slice %arg18[%dma_start3A_101, %dma_start3A_102] : memref<10240x128xf32, #tpu.memory_space<vmem_shared>> -> memref<10240x128xf32, #tpu.memory_space<vmem_shared>>
          tpu.enqueue_indirect_dma source(%arg15 : memref<80x128xf32, #tpu.memory_space<vmem>>) target(%dma_start3A_103 : memref<10240x128xf32, #tpu.memory_space<vmem_shared>>) offsets(%dma_start3A_100 : memref<80xi32, #tpu.memory_space<vmem>>) semaphore(%run_scoped3A_97 : memref<!tpu.dma_semaphore, #tpu.memory_space<semaphore_mem>>) {add = true}
          %dma_wait3A_104 = arith.constant 0 : i32
          %dma_wait3A_105 = tpu.memref_slice %arg12[%add3A_82, %dma_wait3A_104] : memref<25x80xi32, #tpu.memory_space<vmem>> -> memref<1x80xi32, #tpu.memory_space<vmem>>
          %dma_wait3A_106 = tpu.memref_squeeze %dma_wait3A_105 : memref<1x80xi32, #tpu.memory_space<vmem>> -> memref<80xi32, #tpu.memory_space<vmem>>
          %dma_wait3A_107 = arith.constant 0 : i32
          %dma_wait3A_108 = arith.constant 0 : i32
          %dma_wait3A_109 = tpu.memref_slice %arg18[%dma_wait3A_107, %dma_wait3A_108] : memref<10240x128xf32, #tpu.memory_space<vmem_shared>> -> memref<10240x128xf32, #tpu.memory_space<vmem_shared>>
          tpu.wait_indirect_dma semaphore(%run_scoped3A_97 : memref<!tpu.dma_semaphore, #tpu.memory_space<semaphore_mem>>) src(%arg15 : memref<80x128xf32, #tpu.memory_space<vmem>>) dst(%dma_wait3A_109 : memref<10240x128xf32, #tpu.memory_space<vmem_shared>>)
          tpu.yield
        }) : () -> ()
        "tpu.region"() ({
          %run_scoped3A_97 = tpu.sem_alloc : memref<!tpu.dma_semaphore, #tpu.memory_space<semaphore_mem>>
          %dma_start3A_98 = arith.constant 0 : i32
          %dma_start3A_99 = tpu.memref_slice %arg12[%add3A_82, %dma_start3A_98] : memref<25x80xi32, #tpu.memory_space<vmem>> -> memref<1x80xi32, #tpu.memory_space<vmem>>
          %dma_start3A_100 = tpu.memref_squeeze %dma_start3A_99 : memref<1x80xi32, #tpu.memory_space<vmem>> -> memref<80xi32, #tpu.memory_space<vmem>>
          %dma_start3A_101 = arith.constant 0 : i32
          %dma_start3A_102 = tpu.memref_slice %arg19[%dma_start3A_101] : memref<10240xf32, #tpu.memory_space<vmem_shared>> -> memref<10240xf32, #tpu.memory_space<vmem_shared>>
          tpu.enqueue_indirect_dma source(%arg13 : memref<80xf32, #tpu.memory_space<vmem>>) target(%dma_start3A_102 : memref<10240xf32, #tpu.memory_space<vmem_shared>>) offsets(%dma_start3A_100 : memref<80xi32, #tpu.memory_space<vmem>>) semaphore(%run_scoped3A_97 : memref<!tpu.dma_semaphore, #tpu.memory_space<semaphore_mem>>) {add = true}
          %dma_wait3A_103 = arith.constant 0 : i32
          %dma_wait3A_104 = tpu.memref_slice %arg12[%add3A_82, %dma_wait3A_103] : memref<25x80xi32, #tpu.memory_space<vmem>> -> memref<1x80xi32, #tpu.memory_space<vmem>>
          %dma_wait3A_105 = tpu.memref_squeeze %dma_wait3A_104 : memref<1x80xi32, #tpu.memory_space<vmem>> -> memref<80xi32, #tpu.memory_space<vmem>>
          %dma_wait3A_106 = arith.constant 0 : i32
          %dma_wait3A_107 = tpu.memref_slice %arg19[%dma_wait3A_106] : memref<10240xf32, #tpu.memory_space<vmem_shared>> -> memref<10240xf32, #tpu.memory_space<vmem_shared>>
          tpu.wait_indirect_dma semaphore(%run_scoped3A_97 : memref<!tpu.dma_semaphore, #tpu.memory_space<semaphore_mem>>) src(%arg13 : memref<80xf32, #tpu.memory_space<vmem>>) dst(%dma_wait3A_107 : memref<10240xf32, #tpu.memory_space<vmem_shared>>)
          tpu.yield
        }) : () -> ()
        %add3A_89 = arith.constant 2 : i32
        %add3A_90 = arith.addi %add3A_82, %add3A_89 : i32
        %lt3A_91 = arith.constant 25 : i32
        %lt3A_92 = arith.cmpi slt, %add3A_90, %lt3A_91 : i32
        %convert_element_type3A_93 = arith.extui %lt3A_92 : i1 to i32
        %cond3A_94 = arith.constant 0 : i32
        %cond3A_95 = arith.cmpi ne, %convert_element_type3A_93, %cond3A_94 : i32
        scf.if %cond3A_95 {
          %add3A_97 = arith.constant 2 : i32
          %add3A_98 = arith.addi %add3A_82, %add3A_97 : i32
          %mul3A_99 = arith.constant 80 : i32
          %mul3A_100 = arith.muli %add3A_98, %mul3A_99 : i32
          %dma_start3A_101 = tpu.memref_slice %arg10[%mul3A_100] : memref<2000xi32, #tpu.memory_space<vmem>> -> memref<80xi32, #tpu.memory_space<vmem>>
          %dma_start3A_102 = arith.constant 0 : i32
          %dma_start3A_103 = arith.constant 0 : i32
          %dma_start3A_104 = tpu.memref_slice %arg2[%dma_start3A_102, %dma_start3A_103] : memref<20000x128xf32, #tpu.memory_space<hbm>> -> memref<20000x128xf32, #tpu.memory_space<hbm>>
          tpu.enqueue_indirect_dma source(%dma_start3A_104 : memref<20000x128xf32, #tpu.memory_space<hbm>>) target(%arg15 : memref<80x128xf32, #tpu.memory_space<vmem>>) offsets(%dma_start3A_101 : memref<80xi32, #tpu.memory_space<vmem>>) semaphore(%arg17 : memref<!tpu.dma_semaphore, #tpu.memory_space<semaphore_mem>>)
        } else {
        }
        %scan3A_96 = arith.constant 0 : i32
        scf.yield %scan3A_96 : i32
      }
      %scan3A_56 = arith.constant 12 : i32
      %dma_wait3A = arith.constant 1920 : i32
      %dma_wait3A_57 = tpu.memref_slice %arg10[%dma_wait3A] : memref<2000xi32, #tpu.memory_space<vmem>> -> memref<80xi32, #tpu.memory_space<vmem>>
      %dma_wait3A_58 = arith.constant 0 : i32
      %dma_wait3A_59 = arith.constant 0 : i32
      %dma_wait3A_60 = tpu.memref_slice %arg2[%dma_wait3A_58, %dma_wait3A_59] : memref<20000x128xf32, #tpu.memory_space<hbm>> -> memref<20000x128xf32, #tpu.memory_space<hbm>>
      tpu.wait_indirect_dma semaphore(%arg16 : memref<!tpu.dma_semaphore, #tpu.memory_space<semaphore_mem>>) src(%dma_wait3A_60 : memref<20000x128xf32, #tpu.memory_space<hbm>>) dst(%arg14 : memref<80x128xf32, #tpu.memory_space<vmem>>)
      %run_scoped3A = arith.constant 24 : i32
      "tpu.region"() ({
        %run_scoped3A_63 = tpu.sem_alloc : memref<!tpu.dma_semaphore, #tpu.memory_space<semaphore_mem>>
        %dma_start3A_64 = arith.constant 0 : i32
        %dma_start3A_65 = tpu.memref_slice %arg12[%run_scoped3A, %dma_start3A_64] : memref<25x80xi32, #tpu.memory_space<vmem>> -> memref<1x80xi32, #tpu.memory_space<vmem>>
        %dma_start3A_66 = tpu.memref_squeeze %dma_start3A_65 : memref<1x80xi32, #tpu.memory_space<vmem>> -> memref<80xi32, #tpu.memory_space<vmem>>
        %dma_start3A_67 = arith.constant 0 : i32
        %dma_start3A_68 = arith.constant 0 : i32
        %dma_start3A_69 = tpu.memref_slice %arg18[%dma_start3A_67, %dma_start3A_68] : memref<10240x128xf32, #tpu.memory_space<vmem_shared>> -> memref<10240x128xf32, #tpu.memory_space<vmem_shared>>
        tpu.enqueue_indirect_dma source(%arg14 : memref<80x128xf32, #tpu.memory_space<vmem>>) target(%dma_start3A_69 : memref<10240x128xf32, #tpu.memory_space<vmem_shared>>) offsets(%dma_start3A_66 : memref<80xi32, #tpu.memory_space<vmem>>) semaphore(%run_scoped3A_63 : memref<!tpu.dma_semaphore, #tpu.memory_space<semaphore_mem>>) {add = true}
        %dma_wait3A_70 = arith.constant 0 : i32
        %dma_wait3A_71 = tpu.memref_slice %arg12[%run_scoped3A, %dma_wait3A_70] : memref<25x80xi32, #tpu.memory_space<vmem>> -> memref<1x80xi32, #tpu.memory_space<vmem>>
        %dma_wait3A_72 = tpu.memref_squeeze %dma_wait3A_71 : memref<1x80xi32, #tpu.memory_space<vmem>> -> memref<80xi32, #tpu.memory_space<vmem>>
        %dma_wait3A_73 = arith.constant 0 : i32
        %dma_wait3A_74 = arith.constant 0 : i32
        %dma_wait3A_75 = tpu.memref_slice %arg18[%dma_wait3A_73, %dma_wait3A_74] : memref<10240x128xf32, #tpu.memory_space<vmem_shared>> -> memref<10240x128xf32, #tpu.memory_space<vmem_shared>>
        tpu.wait_indirect_dma semaphore(%run_scoped3A_63 : memref<!tpu.dma_semaphore, #tpu.memory_space<semaphore_mem>>) src(%arg14 : memref<80x128xf32, #tpu.memory_space<vmem>>) dst(%dma_wait3A_75 : memref<10240x128xf32, #tpu.memory_space<vmem_shared>>)
        tpu.yield
      }) : () -> ()
      %run_scoped3A_61 = arith.constant 24 : i32
      "tpu.region"() ({
        %run_scoped3A_63 = tpu.sem_alloc : memref<!tpu.dma_semaphore, #tpu.memory_space<semaphore_mem>>
        %dma_start3A_64 = arith.constant 0 : i32
        %dma_start3A_65 = tpu.memref_slice %arg12[%run_scoped3A_61, %dma_start3A_64] : memref<25x80xi32, #tpu.memory_space<vmem>> -> memref<1x80xi32, #tpu.memory_space<vmem>>
        %dma_start3A_66 = tpu.memref_squeeze %dma_start3A_65 : memref<1x80xi32, #tpu.memory_space<vmem>> -> memref<80xi32, #tpu.memory_space<vmem>>
        %dma_start3A_67 = arith.constant 0 : i32
        %dma_start3A_68 = tpu.memref_slice %arg19[%dma_start3A_67] : memref<10240xf32, #tpu.memory_space<vmem_shared>> -> memref<10240xf32, #tpu.memory_space<vmem_shared>>
        tpu.enqueue_indirect_dma source(%arg13 : memref<80xf32, #tpu.memory_space<vmem>>) target(%dma_start3A_68 : memref<10240xf32, #tpu.memory_space<vmem_shared>>) offsets(%dma_start3A_66 : memref<80xi32, #tpu.memory_space<vmem>>) semaphore(%run_scoped3A_63 : memref<!tpu.dma_semaphore, #tpu.memory_space<semaphore_mem>>) {add = true}
        %dma_wait3A_69 = arith.constant 0 : i32
        %dma_wait3A_70 = tpu.memref_slice %arg12[%run_scoped3A_61, %dma_wait3A_69] : memref<25x80xi32, #tpu.memory_space<vmem>> -> memref<1x80xi32, #tpu.memory_space<vmem>>
        %dma_wait3A_71 = tpu.memref_squeeze %dma_wait3A_70 : memref<1x80xi32, #tpu.memory_space<vmem>> -> memref<80xi32, #tpu.memory_space<vmem>>
        %dma_wait3A_72 = arith.constant 0 : i32
        %dma_wait3A_73 = tpu.memref_slice %arg19[%dma_wait3A_72] : memref<10240xf32, #tpu.memory_space<vmem_shared>> -> memref<10240xf32, #tpu.memory_space<vmem_shared>>
        tpu.wait_indirect_dma semaphore(%run_scoped3A_63 : memref<!tpu.dma_semaphore, #tpu.memory_space<semaphore_mem>>) src(%arg13 : memref<80xf32, #tpu.memory_space<vmem>>) dst(%dma_wait3A_73 : memref<10240xf32, #tpu.memory_space<vmem_shared>>)
        tpu.yield
      }) : () -> ()
      %scan3A_62 = arith.constant 0 : i32
      scf.yield %scan3A_62 : i32
    }
    %scan3A_8 = arith.constant 5 : i32
    %barrier3A_9 = arith.constant 0 : index
    tpu.barrier barrier_id(%barrier3A_9)
    %mul3A_10 = arith.constant 624 : i32
    %mul3A_11 = arith.muli %arg1, %mul3A_10 : i32
    %mul3A_12 = arith.constant 10000 : i32
    %mul3A_13 = arith.muli %arg0, %mul3A_12 : i32
    %add3A = arith.addi %mul3A_13, %mul3A_11 : i32
    "tpu.region"() ({
      %run_scoped3A = tpu.sem_alloc : memref<!tpu.dma_semaphore, #tpu.memory_space<semaphore_mem>>
      %dma_start3A = arith.constant 0 : i32
      %dma_start3A_24 = tpu.memref_slice %arg8[%add3A, %dma_start3A] : memref<20000x128xf32, #tpu.memory_space<hbm>> -> memref<624x128xf32, #tpu.memory_space<hbm>>
      %dma_start3A_25 = arith.constant 0 : i32
      %dma_start3A_26 = tpu.memref_slice %arg18[%mul3A_11, %dma_start3A_25] : memref<10240x128xf32, #tpu.memory_space<vmem_shared>> -> memref<624x128xf32, #tpu.memory_space<vmem_shared>>
      tpu.enqueue_dma source(%dma_start3A_26 : memref<624x128xf32, #tpu.memory_space<vmem_shared>>) target(%dma_start3A_24 : memref<624x128xf32, #tpu.memory_space<hbm>>) target_semaphore(%run_scoped3A : memref<!tpu.dma_semaphore, #tpu.memory_space<semaphore_mem>>)
      %dma_wait3A = arith.constant 0 : i32
      %dma_wait3A_27 = tpu.memref_slice %arg8[%add3A, %dma_wait3A] : memref<20000x128xf32, #tpu.memory_space<hbm>> -> memref<624x128xf32, #tpu.memory_space<hbm>>
      %dma_wait3A_28 = arith.constant 0 : i32
      %dma_wait3A_29 = tpu.memref_slice %arg18[%mul3A_11, %dma_wait3A_28] : memref<10240x128xf32, #tpu.memory_space<vmem_shared>> -> memref<624x128xf32, #tpu.memory_space<vmem_shared>>
      tpu.wait_dma2 semaphore(%run_scoped3A : memref<!tpu.dma_semaphore, #tpu.memory_space<semaphore_mem>>) src(%dma_wait3A_29 : memref<624x128xf32, #tpu.memory_space<vmem_shared>>) dst(%dma_wait3A_27 : memref<624x128xf32, #tpu.memory_space<hbm>>)
      tpu.yield
    }) : () -> ()
    %eq3A_14 = arith.constant 15 : i32
    %eq3A_15 = arith.cmpi eq, %arg1, %eq3A_14 : i32
    %convert_element_type3A_16 = arith.extui %eq3A_15 : i1 to i32
    %cond3A_17 = arith.constant 0 : i32
    %cond3A_18 = arith.cmpi ne, %convert_element_type3A_16, %cond3A_17 : i32
    scf.if %cond3A_18 {
      %mul3A_24 = arith.constant 10000 : i32
      %mul3A_25 = arith.muli %arg0, %mul3A_24 : i32
      %add3A_26 = arith.constant 9984 : i32
      %add3A_27 = arith.addi %mul3A_25, %add3A_26 : i32
      "tpu.region"() ({
        %run_scoped3A = tpu.sem_alloc : memref<!tpu.dma_semaphore, #tpu.memory_space<semaphore_mem>>
        %dma_start3A = arith.constant 0 : i32
        %dma_start3A_28 = tpu.memref_slice %arg8[%add3A_27, %dma_start3A] : memref<20000x128xf32, #tpu.memory_space<hbm>> -> memref<16x128xf32, #tpu.memory_space<hbm>>
        %dma_start3A_29 = arith.constant 9984 : i32
        %dma_start3A_30 = arith.constant 0 : i32
        %dma_start3A_31 = tpu.memref_slice %arg18[%dma_start3A_29, %dma_start3A_30] : memref<10240x128xf32, #tpu.memory_space<vmem_shared>> -> memref<16x128xf32, #tpu.memory_space<vmem_shared>>
        tpu.enqueue_dma source(%dma_start3A_31 : memref<16x128xf32, #tpu.memory_space<vmem_shared>>) target(%dma_start3A_28 : memref<16x128xf32, #tpu.memory_space<hbm>>) target_semaphore(%run_scoped3A : memref<!tpu.dma_semaphore, #tpu.memory_space<semaphore_mem>>)
        %dma_wait3A = arith.constant 0 : i32
        %dma_wait3A_32 = tpu.memref_slice %arg8[%add3A_27, %dma_wait3A] : memref<20000x128xf32, #tpu.memory_space<hbm>> -> memref<16x128xf32, #tpu.memory_space<hbm>>
        %dma_wait3A_33 = arith.constant 9984 : i32
        %dma_wait3A_34 = arith.constant 0 : i32
        %dma_wait3A_35 = tpu.memref_slice %arg18[%dma_wait3A_33, %dma_wait3A_34] : memref<10240x128xf32, #tpu.memory_space<vmem_shared>> -> memref<16x128xf32, #tpu.memory_space<vmem_shared>>
        tpu.wait_dma2 semaphore(%run_scoped3A : memref<!tpu.dma_semaphore, #tpu.memory_space<semaphore_mem>>) src(%dma_wait3A_35 : memref<16x128xf32, #tpu.memory_space<vmem_shared>>) dst(%dma_wait3A_32 : memref<16x128xf32, #tpu.memory_space<hbm>>)
        tpu.yield
      }) : () -> ()
    } else {
    }
    %eq3A_19 = arith.constant 0 : i32
    %eq3A_20 = arith.cmpi eq, %arg1, %eq3A_19 : i32
    %convert_element_type3A_21 = arith.extui %eq3A_20 : i1 to i32
    %cond3A_22 = arith.constant 0 : i32
    %cond3A_23 = arith.cmpi ne, %convert_element_type3A_21, %cond3A_22 : i32
    scf.if %cond3A_23 {
      %mul3A_24 = arith.constant 10240 : i32
      %mul3A_25 = arith.muli %arg0, %mul3A_24 : i32
      "tpu.region"() ({
        %run_scoped3A = tpu.sem_alloc : memref<!tpu.dma_semaphore, #tpu.memory_space<semaphore_mem>>
        %dma_start3A = tpu.memref_slice %arg9[%mul3A_25] : memref<20480xf32, #tpu.memory_space<hbm>> -> memref<10240xf32, #tpu.memory_space<hbm>>
        tpu.enqueue_dma source(%arg19 : memref<10240xf32, #tpu.memory_space<vmem_shared>>) target(%dma_start3A : memref<10240xf32, #tpu.memory_space<hbm>>) target_semaphore(%run_scoped3A : memref<!tpu.dma_semaphore, #tpu.memory_space<semaphore_mem>>)
        %dma_wait3A = tpu.memref_slice %arg9[%mul3A_25] : memref<20480xf32, #tpu.memory_space<hbm>> -> memref<10240xf32, #tpu.memory_space<hbm>>
        tpu.wait_dma2 semaphore(%run_scoped3A : memref<!tpu.dma_semaphore, #tpu.memory_space<semaphore_mem>>) src(%arg19 : memref<10240xf32, #tpu.memory_space<vmem_shared>>) dst(%dma_wait3A : memref<10240xf32, #tpu.memory_space<hbm>>)
        tpu.yield
      }) : () -> ()
    } else {
    }
    return
  }
}

module attributes {stable_mosaic.version = 14 : i64} {
  func.func @_tc_body(%arg0: i32, %arg1: memref<1000x256xf32, #tpu.memory_space<vmem>>, %arg2: memref<1000x128xf32, #tpu.memory_space<vmem>>, %arg3: memref<1000x128xf32, #tpu.memory_space<vmem>>, %arg4: memref<1000x1xf32, #tpu.memory_space<vmem>>, %arg5: memref<128x128xf32, #tpu.memory_space<vmem>>, %arg6: memref<128x128xf32, #tpu.memory_space<vmem>>, %arg7: memref<128x128xf32, #tpu.memory_space<vmem>>, %arg8: memref<128x128xf32, #tpu.memory_space<vmem>>, %arg9: memref<128x128xf32, #tpu.memory_space<vmem>>, %arg10: memref<128x128xf32, #tpu.memory_space<vmem>>, %arg11: memref<128x128xf32, #tpu.memory_space<vmem>>, %arg12: memref<128x128xf32, #tpu.memory_space<vmem>>, %arg13: memref<128x128xf32, #tpu.memory_space<vmem>>, %arg14: memref<128x128xf32, #tpu.memory_space<vmem>>, %arg15: memref<1x128xf32, #tpu.memory_space<vmem>>, %arg16: memref<1x128xf32, #tpu.memory_space<vmem>>, %arg17: memref<1x128xf32, #tpu.memory_space<vmem>>, %arg18: memref<1x128xf32, #tpu.memory_space<vmem>>, %arg19: memref<1x128xf32, #tpu.memory_space<vmem>>, %arg20: memref<1000x256xf32, #tpu.memory_space<vmem>>) attributes {dimension_semantics = [#tpu.dimension_semantics<arbitrary>], iteration_bounds = array<i64: 10>, scalar_prefetch = 0 : i64, scratch_operands = 0 : i64, tpu.core_type = #tpu.core_type<tc>, window_params = [{transform_indices = @transform_0, window_bounds = array<i64: 1000, 256>}, {transform_indices = @transform_1, window_bounds = array<i64: 1000, 128>}, {transform_indices = @transform_2, window_bounds = array<i64: 1000, 128>}, {transform_indices = @transform_3, window_bounds = array<i64: 1000, 1>}, {pipeline_mode = #tpu.pipeline_mode<synchronous>, transform_indices = @transform_4, window_bounds = array<i64: 128, 128>}, {pipeline_mode = #tpu.pipeline_mode<synchronous>, transform_indices = @transform_5, window_bounds = array<i64: 128, 128>}, {pipeline_mode = #tpu.pipeline_mode<synchronous>, transform_indices = @transform_6, window_bounds = array<i64: 128, 128>}, {pipeline_mode = #tpu.pipeline_mode<synchronous>, transform_indices = @transform_7, window_bounds = array<i64: 128, 128>}, {pipeline_mode = #tpu.pipeline_mode<synchronous>, transform_indices = @transform_8, window_bounds = array<i64: 128, 128>}, {pipeline_mode = #tpu.pipeline_mode<synchronous>, transform_indices = @transform_9, window_bounds = array<i64: 128, 128>}, {pipeline_mode = #tpu.pipeline_mode<synchronous>, transform_indices = @transform_10, window_bounds = array<i64: 128, 128>}, {pipeline_mode = #tpu.pipeline_mode<synchronous>, transform_indices = @transform_11, window_bounds = array<i64: 128, 128>}, {pipeline_mode = #tpu.pipeline_mode<synchronous>, transform_indices = @transform_12, window_bounds = array<i64: 128, 128>}, {pipeline_mode = #tpu.pipeline_mode<synchronous>, transform_indices = @transform_13, window_bounds = array<i64: 128, 128>}, {pipeline_mode = #tpu.pipeline_mode<synchronous>, transform_indices = @transform_14, window_bounds = array<i64: 1, 128>}, {pipeline_mode = #tpu.pipeline_mode<synchronous>, transform_indices = @transform_15, window_bounds = array<i64: 1, 128>}, {pipeline_mode = #tpu.pipeline_mode<synchronous>, transform_indices = @transform_16, window_bounds = array<i64: 1, 128>}, {pipeline_mode = #tpu.pipeline_mode<synchronous>, transform_indices = @transform_17, window_bounds = array<i64: 1, 128>}, {pipeline_mode = #tpu.pipeline_mode<synchronous>, transform_indices = @transform_18, window_bounds = array<i64: 1, 128>}, {transform_indices = @transform_19, window_bounds = array<i64: 1000, 256>}]} {
    %get3A = arith.constant 0 : index
    %get3A_0 = arith.constant 0 : index
    %get3A_1 = vector.load %arg1[%get3A, %get3A_0] : memref<1000x256xf32, #tpu.memory_space<vmem>>, vector<1000x128xf32>
    %get3A_2 = arith.constant 0 : index
    %get3A_3 = arith.constant 128 : index
    %get3A_4 = vector.load %arg1[%get3A_2, %get3A_3] : memref<1000x256xf32, #tpu.memory_space<vmem>>, vector<1000x128xf32>
    %get3A_5 = arith.constant 0 : index
    %get3A_6 = arith.constant 0 : index
    %get3A_7 = vector.load %arg2[%get3A_5, %get3A_6] : memref<1000x128xf32, #tpu.memory_space<vmem>>, vector<1000x128xf32>
    %get3A_8 = arith.constant 0 : index
    %get3A_9 = arith.constant 0 : index
    %get3A_10 = vector.load %arg3[%get3A_8, %get3A_9] : memref<1000x128xf32, #tpu.memory_space<vmem>>, vector<1000x128xf32>
    %add3A = arith.addf %get3A_7, %get3A_10 : vector<1000x128xf32>
    %get3A_11 = arith.constant 0 : index
    %get3A_12 = arith.constant 0 : index
    %get3A_13 = vector.load %arg4[%get3A_11, %get3A_12] : memref<1000x1xf32, #tpu.memory_space<vmem>>, vector<1000x1xf32>
    %gt3A = arith.constant 0.000000e+00 : f32
    %gt3A_14 = vector.broadcast %gt3A : f32 to vector<1000x1xf32>
    %gt3A_15 = arith.cmpf ogt, %get3A_13, %gt3A_14 : vector<1000x1xf32>
    %max3A = arith.constant 1.000000e+00 : f32
    %max3A_16 = vector.broadcast %max3A : f32 to vector<1000x1xf32>
    %max3A_17 = arith.maximumf %get3A_13, %max3A_16 : vector<1000x1xf32>
    %div3A = vector.broadcast %max3A_17 : vector<1000x1xf32> to vector<1000x128xf32>
    %div3A_18 = arith.divf %add3A, %div3A : vector<1000x128xf32>
    %jit3A = arith.constant 0.000000e+00 : f32
    %broadcast_in_dim3A = vector.shape_cast %gt3A_15 : vector<1000x1xi1> to vector<1000x1xi1>
    %broadcast_in_dim3A_19 = vector.broadcast %broadcast_in_dim3A : vector<1000x1xi1> to vector<1000x128xi1>
    %broadcast_in_dim3A_20 = vector.broadcast %jit3A : f32 to vector<1000x128xf32>
    %select_n3A = arith.select %broadcast_in_dim3A_19, %div3A_18, %broadcast_in_dim3A_20 : vector<1000x128xi1>, vector<1000x128xf32>
    %get3A_21 = arith.constant 0 : index
    %get3A_22 = arith.constant 0 : index
    %get3A_23 = vector.load %arg5[%get3A_21, %get3A_22] : memref<128x128xf32, #tpu.memory_space<vmem>>, vector<128x128xf32>
    %dot_general3A = arith.constant dense<0.000000e+00> : vector<1000x128xf32>
    %dot_general3A_24 = tpu.matmul %get3A_4, %get3A_23, %dot_general3A {dimension_numbers = #tpu.dot_dimension_numbers<[1], [0], [0], [1], [0, 0, 1, 1], [], []>, transpose_lhs_hint = false} : vector<1000x128xf32>, vector<128x128xf32>, vector<1000x128xf32> -> vector<1000x128xf32>
    %get3A_25 = arith.constant 0 : index
    %get3A_26 = arith.constant 0 : index
    %get3A_27 = vector.load %arg6[%get3A_25, %get3A_26] : memref<128x128xf32, #tpu.memory_space<vmem>>, vector<128x128xf32>
    %dot_general3A_28 = arith.constant dense<0.000000e+00> : vector<1000x128xf32>
    %dot_general3A_29 = tpu.matmul %select_n3A, %get3A_27, %dot_general3A_28 {dimension_numbers = #tpu.dot_dimension_numbers<[1], [0], [0], [1], [0, 0, 1, 1], [], []>, transpose_lhs_hint = false} : vector<1000x128xf32>, vector<128x128xf32>, vector<1000x128xf32> -> vector<1000x128xf32>
    %add3A_30 = arith.addf %dot_general3A_24, %dot_general3A_29 : vector<1000x128xf32>
    %get3A_31 = arith.constant 0 : index
    %get3A_32 = arith.constant 0 : index
    %get3A_33 = vector.load %arg15[%get3A_31, %get3A_32] : memref<1x128xf32, #tpu.memory_space<vmem>>, vector<1x128xf32>
    %add3A_34 = vector.broadcast %get3A_33 : vector<1x128xf32> to vector<1000x128xf32>
    %add3A_35 = arith.addf %add3A_30, %add3A_34 : vector<1000x128xf32>
    %max3A_36 = arith.constant 0.000000e+00 : f32
    %max3A_37 = vector.broadcast %max3A_36 : f32 to vector<1000x128xf32>
    %max3A_38 = arith.maximumf %add3A_35, %max3A_37 : vector<1000x128xf32>
    %abs3A = math.absf %add3A_35 : vector<1000x128xf32>
    %neg3A = arith.constant 0.000000e+00 : f32
    %neg3A_39 = vector.broadcast %neg3A : f32 to vector<1000x128xf32>
    %neg3A_40 = arith.subf %neg3A_39, %abs3A : vector<1000x128xf32>
    %exp3A = math.exp %neg3A_40 : vector<1000x128xf32>
    %log1p3A = math.log1p %exp3A : vector<1000x128xf32>
    %add3A_41 = arith.addf %max3A_38, %log1p3A : vector<1000x128xf32>
    %get3A_42 = arith.constant 0 : index
    %get3A_43 = arith.constant 0 : index
    %get3A_44 = vector.load %arg7[%get3A_42, %get3A_43] : memref<128x128xf32, #tpu.memory_space<vmem>>, vector<128x128xf32>
    %dot_general3A_45 = arith.constant dense<0.000000e+00> : vector<1000x128xf32>
    %dot_general3A_46 = tpu.matmul %get3A_1, %get3A_44, %dot_general3A_45 {dimension_numbers = #tpu.dot_dimension_numbers<[1], [0], [0], [1], [0, 0, 1, 1], [], []>, transpose_lhs_hint = false} : vector<1000x128xf32>, vector<128x128xf32>, vector<1000x128xf32> -> vector<1000x128xf32>
    %get3A_47 = arith.constant 0 : index
    %get3A_48 = arith.constant 0 : index
    %get3A_49 = vector.load %arg8[%get3A_47, %get3A_48] : memref<128x128xf32, #tpu.memory_space<vmem>>, vector<128x128xf32>
    %dot_general3A_50 = arith.constant dense<0.000000e+00> : vector<1000x128xf32>
    %dot_general3A_51 = tpu.matmul %add3A_41, %get3A_49, %dot_general3A_50 {dimension_numbers = #tpu.dot_dimension_numbers<[1], [0], [0], [1], [0, 0, 1, 1], [], []>, transpose_lhs_hint = false} : vector<1000x128xf32>, vector<128x128xf32>, vector<1000x128xf32> -> vector<1000x128xf32>
    %add3A_52 = arith.addf %dot_general3A_46, %dot_general3A_51 : vector<1000x128xf32>
    %get3A_53 = arith.constant 0 : index
    %get3A_54 = arith.constant 0 : index
    %get3A_55 = vector.load %arg16[%get3A_53, %get3A_54] : memref<1x128xf32, #tpu.memory_space<vmem>>, vector<1x128xf32>
    %add3A_56 = vector.broadcast %get3A_55 : vector<1x128xf32> to vector<1000x128xf32>
    %add3A_57 = arith.addf %add3A_52, %add3A_56 : vector<1000x128xf32>
    %max3A_58 = arith.constant 0.000000e+00 : f32
    %max3A_59 = vector.broadcast %max3A_58 : f32 to vector<1000x128xf32>
    %max3A_60 = arith.maximumf %add3A_57, %max3A_59 : vector<1000x128xf32>
    %abs3A_61 = math.absf %add3A_57 : vector<1000x128xf32>
    %neg3A_62 = arith.constant 0.000000e+00 : f32
    %neg3A_63 = vector.broadcast %neg3A_62 : f32 to vector<1000x128xf32>
    %neg3A_64 = arith.subf %neg3A_63, %abs3A_61 : vector<1000x128xf32>
    %exp3A_65 = math.exp %neg3A_64 : vector<1000x128xf32>
    %log1p3A_66 = math.log1p %exp3A_65 : vector<1000x128xf32>
    %add3A_67 = arith.addf %max3A_60, %log1p3A_66 : vector<1000x128xf32>
    %get3A_68 = arith.constant 0 : index
    %get3A_69 = arith.constant 0 : index
    %get3A_70 = vector.load %arg11[%get3A_68, %get3A_69] : memref<128x128xf32, #tpu.memory_space<vmem>>, vector<128x128xf32>
    %dot_general3A_71 = arith.constant dense<0.000000e+00> : vector<1000x128xf32>
    %dot_general3A_72 = tpu.matmul %get3A_1, %get3A_70, %dot_general3A_71 {dimension_numbers = #tpu.dot_dimension_numbers<[1], [0], [0], [1], [0, 0, 1, 1], [], []>, transpose_lhs_hint = false} : vector<1000x128xf32>, vector<128x128xf32>, vector<1000x128xf32> -> vector<1000x128xf32>
    %get3A_73 = arith.constant 0 : index
    %get3A_74 = arith.constant 0 : index
    %get3A_75 = vector.load %arg12[%get3A_73, %get3A_74] : memref<128x128xf32, #tpu.memory_space<vmem>>, vector<128x128xf32>
    %dot_general3A_76 = arith.constant dense<0.000000e+00> : vector<1000x128xf32>
    %dot_general3A_77 = tpu.matmul %add3A_41, %get3A_75, %dot_general3A_76 {dimension_numbers = #tpu.dot_dimension_numbers<[1], [0], [0], [1], [0, 0, 1, 1], [], []>, transpose_lhs_hint = false} : vector<1000x128xf32>, vector<128x128xf32>, vector<1000x128xf32> -> vector<1000x128xf32>
    %add3A_78 = arith.addf %dot_general3A_72, %dot_general3A_77 : vector<1000x128xf32>
    %get3A_79 = arith.constant 0 : index
    %get3A_80 = arith.constant 0 : index
    %get3A_81 = vector.load %arg18[%get3A_79, %get3A_80] : memref<1x128xf32, #tpu.memory_space<vmem>>, vector<1x128xf32>
    %add3A_82 = vector.broadcast %get3A_81 : vector<1x128xf32> to vector<1000x128xf32>
    %add3A_83 = arith.addf %add3A_78, %add3A_82 : vector<1000x128xf32>
    %max3A_84 = arith.constant 0.000000e+00 : f32
    %max3A_85 = vector.broadcast %max3A_84 : f32 to vector<1000x128xf32>
    %max3A_86 = arith.maximumf %add3A_83, %max3A_85 : vector<1000x128xf32>
    %abs3A_87 = math.absf %add3A_83 : vector<1000x128xf32>
    %neg3A_88 = arith.constant 0.000000e+00 : f32
    %neg3A_89 = vector.broadcast %neg3A_88 : f32 to vector<1000x128xf32>
    %neg3A_90 = arith.subf %neg3A_89, %abs3A_87 : vector<1000x128xf32>
    %exp3A_91 = math.exp %neg3A_90 : vector<1000x128xf32>
    %log1p3A_92 = math.log1p %exp3A_91 : vector<1000x128xf32>
    %add3A_93 = arith.addf %max3A_86, %log1p3A_92 : vector<1000x128xf32>
    %get3A_94 = arith.constant 0 : index
    %get3A_95 = arith.constant 0 : index
    %get3A_96 = vector.load %arg13[%get3A_94, %get3A_95] : memref<128x128xf32, #tpu.memory_space<vmem>>, vector<128x128xf32>
    %dot_general3A_97 = arith.constant dense<0.000000e+00> : vector<1000x128xf32>
    %dot_general3A_98 = tpu.matmul %get3A_1, %get3A_96, %dot_general3A_97 {dimension_numbers = #tpu.dot_dimension_numbers<[1], [0], [0], [1], [0, 0, 1, 1], [], []>, transpose_lhs_hint = false} : vector<1000x128xf32>, vector<128x128xf32>, vector<1000x128xf32> -> vector<1000x128xf32>
    %get3A_99 = arith.constant 0 : index
    %get3A_100 = arith.constant 0 : index
    %get3A_101 = vector.load %arg14[%get3A_99, %get3A_100] : memref<128x128xf32, #tpu.memory_space<vmem>>, vector<128x128xf32>
    %dot_general3A_102 = arith.constant dense<0.000000e+00> : vector<1000x128xf32>
    %dot_general3A_103 = tpu.matmul %add3A_41, %get3A_101, %dot_general3A_102 {dimension_numbers = #tpu.dot_dimension_numbers<[1], [0], [0], [1], [0, 0, 1, 1], [], []>, transpose_lhs_hint = false} : vector<1000x128xf32>, vector<128x128xf32>, vector<1000x128xf32> -> vector<1000x128xf32>
    %add3A_104 = arith.addf %dot_general3A_98, %dot_general3A_103 : vector<1000x128xf32>
    %get3A_105 = arith.constant 0 : index
    %get3A_106 = arith.constant 0 : index
    %get3A_107 = vector.load %arg19[%get3A_105, %get3A_106] : memref<1x128xf32, #tpu.memory_space<vmem>>, vector<1x128xf32>
    %add3A_108 = vector.broadcast %get3A_107 : vector<1x128xf32> to vector<1000x128xf32>
    %add3A_109 = arith.addf %add3A_104, %add3A_108 : vector<1000x128xf32>
    %tanh3A = math.tanh %add3A_109 : vector<1000x128xf32>
    %get3A_110 = arith.constant 0 : index
    %get3A_111 = arith.constant 0 : index
    %get3A_112 = vector.load %arg9[%get3A_110, %get3A_111] : memref<128x128xf32, #tpu.memory_space<vmem>>, vector<128x128xf32>
    %dot_general3A_113 = arith.constant dense<0.000000e+00> : vector<1000x128xf32>
    %dot_general3A_114 = tpu.matmul %get3A_1, %get3A_112, %dot_general3A_113 {dimension_numbers = #tpu.dot_dimension_numbers<[1], [0], [0], [1], [0, 0, 1, 1], [], []>, transpose_lhs_hint = false} : vector<1000x128xf32>, vector<128x128xf32>, vector<1000x128xf32> -> vector<1000x128xf32>
    %get3A_115 = arith.constant 0 : index
    %get3A_116 = arith.constant 0 : index
    %get3A_117 = vector.load %arg10[%get3A_115, %get3A_116] : memref<128x128xf32, #tpu.memory_space<vmem>>, vector<128x128xf32>
    %dot_general3A_118 = arith.constant dense<0.000000e+00> : vector<1000x128xf32>
    %dot_general3A_119 = tpu.matmul %add3A_41, %get3A_117, %dot_general3A_118 {dimension_numbers = #tpu.dot_dimension_numbers<[1], [0], [0], [1], [0, 0, 1, 1], [], []>, transpose_lhs_hint = false} : vector<1000x128xf32>, vector<128x128xf32>, vector<1000x128xf32> -> vector<1000x128xf32>
    %add3A_120 = arith.addf %dot_general3A_114, %dot_general3A_119 : vector<1000x128xf32>
    %get3A_121 = arith.constant 0 : index
    %get3A_122 = arith.constant 0 : index
    %get3A_123 = vector.load %arg17[%get3A_121, %get3A_122] : memref<1x128xf32, #tpu.memory_space<vmem>>, vector<1x128xf32>
    %add3A_124 = vector.broadcast %get3A_123 : vector<1x128xf32> to vector<1000x128xf32>
    %add3A_125 = arith.addf %add3A_120, %add3A_124 : vector<1000x128xf32>
    %max3A_126 = arith.constant 0.000000e+00 : f32
    %max3A_127 = vector.broadcast %max3A_126 : f32 to vector<1000x128xf32>
    %max3A_128 = arith.maximumf %add3A_125, %max3A_127 : vector<1000x128xf32>
    %abs3A_129 = math.absf %add3A_125 : vector<1000x128xf32>
    %neg3A_130 = arith.constant 0.000000e+00 : f32
    %neg3A_131 = vector.broadcast %neg3A_130 : f32 to vector<1000x128xf32>
    %neg3A_132 = arith.subf %neg3A_131, %abs3A_129 : vector<1000x128xf32>
    %exp3A_133 = math.exp %neg3A_132 : vector<1000x128xf32>
    %log1p3A_134 = math.log1p %exp3A_133 : vector<1000x128xf32>
    %add3A_135 = arith.addf %max3A_128, %log1p3A_134 : vector<1000x128xf32>
    %mul3A = arith.mulf %add3A_93, %tanh3A : vector<1000x128xf32>
    %mul3A_136 = arith.mulf %add3A_67, %get3A_1 : vector<1000x128xf32>
    %sub3A = arith.subf %mul3A, %mul3A_136 : vector<1000x128xf32>
    %neg3A_137 = arith.constant 0.000000e+00 : f32
    %neg3A_138 = vector.broadcast %neg3A_137 : f32 to vector<1000x128xf32>
    %neg3A_139 = arith.subf %neg3A_138, %add3A_135 : vector<1000x128xf32>
    %mul3A_140 = arith.mulf %neg3A_139, %get3A_4 : vector<1000x128xf32>
    %mul3A_141 = arith.mulf %sub3A, %get3A_1 : vector<1000x128xf32>
    %reduce_sum3A = arith.constant dense<0.000000e+00> : vector<1000xf32>
    %reduce_sum3A_142 = vector.multi_reduction <add>, %mul3A_141, %reduce_sum3A [1] : vector<1000x128xf32> to vector<1000xf32>
    %broadcast_in_dim3A_143 = vector.shape_cast %reduce_sum3A_142 : vector<1000xf32> to vector<1000x1xf32>
    %mul3A_144 = arith.mulf %get3A_1, %get3A_1 : vector<1000x128xf32>
    %reduce_sum3A_145 = arith.constant dense<0.000000e+00> : vector<1000xf32>
    %reduce_sum3A_146 = vector.multi_reduction <add>, %mul3A_144, %reduce_sum3A_145 [1] : vector<1000x128xf32> to vector<1000xf32>
    %broadcast_in_dim3A_147 = vector.shape_cast %reduce_sum3A_146 : vector<1000xf32> to vector<1000x1xf32>
    %div3A_148 = arith.divf %broadcast_in_dim3A_143, %broadcast_in_dim3A_147 : vector<1000x1xf32>
    %mul3A_149 = vector.broadcast %div3A_148 : vector<1000x1xf32> to vector<1000x128xf32>
    %mul3A_150 = arith.mulf %mul3A_149, %get3A_1 : vector<1000x128xf32>
    %sub3A_151 = arith.subf %sub3A, %mul3A_150 : vector<1000x128xf32>
    %swap3A = arith.constant 0 : index
    %swap3A_152 = arith.constant 0 : index
    %swap3A_153 = vector.load %arg20[%swap3A, %swap3A_152] : memref<1000x256xf32, #tpu.memory_space<vmem>>, vector<1000x128xf32>
    tpu.vector_store %arg20[%swap3A, %swap3A_152], %sub3A_151 {strides = array<i32>} : memref<1000x256xf32, #tpu.memory_space<vmem>>, vector<1000x128xf32>,
    %swap3A_154 = arith.constant 0 : index
    %swap3A_155 = arith.constant 128 : index
    %swap3A_156 = vector.load %arg20[%swap3A_154, %swap3A_155] : memref<1000x256xf32, #tpu.memory_space<vmem>>, vector<1000x128xf32>
    tpu.vector_store %arg20[%swap3A_154, %swap3A_155], %mul3A_140 {strides = array<i32>} : memref<1000x256xf32, #tpu.memory_space<vmem>>, vector<1000x128xf32>,
    return
  }
  func.func @transform_0(%arg0: i32) -> (i32, i32) {
    %c0_i32 = arith.constant 0 : i32
    %c0_i32_0 = arith.constant 0 : i32
    return %arg0, %c0_i32 : i32, i32
  }
  func.func @transform_1(%arg0: i32) -> (i32, i32) {
    %c0_i32 = arith.constant 0 : i32
    %c0_i32_0 = arith.constant 0 : i32
    return %arg0, %c0_i32 : i32, i32
  }
  func.func @transform_2(%arg0: i32) -> (i32, i32) {
    %add3A = arith.constant 10 : i32
    %add3A_0 = arith.addi %arg0, %add3A : i32
    %c0_i32 = arith.constant 0 : i32
    %c0_i32_1 = arith.constant 0 : i32
    return %add3A_0, %c0_i32 : i32, i32
  }
  func.func @transform_3(%arg0: i32) -> (i32, i32) {
    %c0_i32 = arith.constant 0 : i32
    %c0_i32_0 = arith.constant 0 : i32
    return %arg0, %c0_i32 : i32, i32
  }
  func.func @transform_4(%arg0: i32) -> (i32, i32) {
    %c0_i32 = arith.constant 0 : i32
    %c0_i32_0 = arith.constant 0 : i32
    %c0_i32_1 = arith.constant 0 : i32
    return %c0_i32, %c0_i32_0 : i32, i32
  }
  func.func @transform_5(%arg0: i32) -> (i32, i32) {
    %c0_i32 = arith.constant 0 : i32
    %c0_i32_0 = arith.constant 0 : i32
    %c0_i32_1 = arith.constant 0 : i32
    return %c0_i32, %c0_i32_0 : i32, i32
  }
  func.func @transform_6(%arg0: i32) -> (i32, i32) {
    %c0_i32 = arith.constant 0 : i32
    %c0_i32_0 = arith.constant 0 : i32
    %c0_i32_1 = arith.constant 0 : i32
    return %c0_i32, %c0_i32_0 : i32, i32
  }
  func.func @transform_7(%arg0: i32) -> (i32, i32) {
    %c0_i32 = arith.constant 0 : i32
    %c0_i32_0 = arith.constant 0 : i32
    %c0_i32_1 = arith.constant 0 : i32
    return %c0_i32, %c0_i32_0 : i32, i32
  }
  func.func @transform_8(%arg0: i32) -> (i32, i32) {
    %c0_i32 = arith.constant 0 : i32
    %c0_i32_0 = arith.constant 0 : i32
    %c0_i32_1 = arith.constant 0 : i32
    return %c0_i32, %c0_i32_0 : i32, i32
  }
  func.func @transform_9(%arg0: i32) -> (i32, i32) {
    %c0_i32 = arith.constant 0 : i32
    %c0_i32_0 = arith.constant 0 : i32
    %c0_i32_1 = arith.constant 0 : i32
    return %c0_i32, %c0_i32_0 : i32, i32
  }
  func.func @transform_10(%arg0: i32) -> (i32, i32) {
    %c0_i32 = arith.constant 0 : i32
    %c0_i32_0 = arith.constant 0 : i32
    %c0_i32_1 = arith.constant 0 : i32
    return %c0_i32, %c0_i32_0 : i32, i32
  }
  func.func @transform_11(%arg0: i32) -> (i32, i32) {
    %c0_i32 = arith.constant 0 : i32
    %c0_i32_0 = arith.constant 0 : i32
    %c0_i32_1 = arith.constant 0 : i32
    return %c0_i32, %c0_i32_0 : i32, i32
  }
  func.func @transform_12(%arg0: i32) -> (i32, i32) {
    %c0_i32 = arith.constant 0 : i32
    %c0_i32_0 = arith.constant 0 : i32
    %c0_i32_1 = arith.constant 0 : i32
    return %c0_i32, %c0_i32_0 : i32, i32
  }
  func.func @transform_13(%arg0: i32) -> (i32, i32) {
    %c0_i32 = arith.constant 0 : i32
    %c0_i32_0 = arith.constant 0 : i32
    %c0_i32_1 = arith.constant 0 : i32
    return %c0_i32, %c0_i32_0 : i32, i32
  }
  func.func @transform_14(%arg0: i32) -> (i32, i32) {
    %c0_i32 = arith.constant 0 : i32
    %c0_i32_0 = arith.constant 0 : i32
    %c0_i32_1 = arith.constant 0 : i32
    return %c0_i32, %c0_i32_0 : i32, i32
  }
  func.func @transform_15(%arg0: i32) -> (i32, i32) {
    %c0_i32 = arith.constant 0 : i32
    %c0_i32_0 = arith.constant 0 : i32
    %c0_i32_1 = arith.constant 0 : i32
    return %c0_i32, %c0_i32_0 : i32, i32
  }
  func.func @transform_16(%arg0: i32) -> (i32, i32) {
    %c0_i32 = arith.constant 0 : i32
    %c0_i32_0 = arith.constant 0 : i32
    %c0_i32_1 = arith.constant 0 : i32
    return %c0_i32, %c0_i32_0 : i32, i32
  }
  func.func @transform_17(%arg0: i32) -> (i32, i32) {
    %c0_i32 = arith.constant 0 : i32
    %c0_i32_0 = arith.constant 0 : i32
    %c0_i32_1 = arith.constant 0 : i32
    return %c0_i32, %c0_i32_0 : i32, i32
  }
  func.func @transform_18(%arg0: i32) -> (i32, i32) {
    %c0_i32 = arith.constant 0 : i32
    %c0_i32_0 = arith.constant 0 : i32
    %c0_i32_1 = arith.constant 0 : i32
    return %c0_i32, %c0_i32_0 : i32, i32
  }
  func.func @transform_19(%arg0: i32) -> (i32, i32) {
    %c0_i32 = arith.constant 0 : i32
    %c0_i32_0 = arith.constant 0 : i32
    return %arg0, %c0_i32 : i32, i32
  }
}

</mosaic_0001>

<sc_bundles>
// kernel: kernel.4.cloned.1.call-start
scs
__scs_entry_jumppad:
0x0: {  	(pc) =	sbr.rel $0x88, $3  }
0x1: {  	(tag) =	ssettag $0x0;
	lr =	simm.s32 $0x1  }
0x2: {  	[smem:$0x3F95] =	sst lr;
	_ =	strace $0xD0000000  }
0x3: {  	_ = 	snop  }
0x4: {  	_ = 	snop  }
0x5: {  	_ = 	snop  }
0x6: {  	_ = 	snop  }
0x7: {  	_ = 	snop  }
__scs_overlays_trampoline_lowered:
0x8: {  	[smem:$0x3FA4] =	sst s0  }
0x9: {  	[smem:$0x3FA5] =	sst s1  }
0xa: {  	[smem:$0x3FA6] =	sst s2  }
0xb: {  	[smem:$0x3FA7] =	sst s3  }
0xc: {  	[smem:$0x3FA8] =	sst s4  }
0xd: {  	[smem:$0x3FA9] =	sst s5  }
0xe: {  	[smem:$0x3FAA] =	sst s6  }
0xf: {  	[smem:$0x3FAB] =	sst s7  }
0x10: {  	[smem:$0x3FAC] =	sst s8  }
0x11: {  	[smem:$0x3FAD] =	sst s9;
	s0 =	simm.s32 @!p0 $0x0  }
0x12: {  	s1 =	sld [smem:$0x3F93];
	s0 =	simm.s32 @p0 $0x1  }
0x13: {  	[smem:$0x3FAE] =	sst s0;
	s0 =	simm.s32 @!p1 $0x0  }
0x14: {  	s2 =	sld [smem:$0x3F92];
	s0 =	simm.s32 @p1 $0x1  }
0x15: {  	[smem:$0x3FAF] =	sst s0;
	s0 =	simm.s32 @!p2 $0x0  }
0x16: {  	s3 =	sld [smem:$0x3FDB];
	s0 =	simm.s32 @p2 $0x1  }
0x17: {  	s4 =	simm.s32 $0x1BF5;
	[smem:$0x3FB1] =	sst s0  }
0x18: {  	s0 =	sld [smem:$0x3F94];
	_ =	swait.ge [sflag:s4], $0x0  }
0x19: {  	s7 =	sld [smem:$0x3F95]  }
0x1a: {  	s8 =	sadd.s32 $0xFFFFE003, lr  }
0x1b: {  	s9 =	sadd.s32 $0xFFFFFEF7, lr;
	s5 =	simm.s32 $0xFFFFFFFF;
	p2 =	slt.u32 s8, $0xFFFFF086  }
0x1c: {  	p1 =	slt.u32 s9, $0xF7A;
	s5 =	simm.s32 @!p2 $0x0  }
0x1d: {  	s5 =	simm.s32 @p1 $0x1;
	p0 =	seq.s32 s7, s2  }
0x1e: {  	s7 =	smul.u32 @!p0 $0xF7A, s2;
	p2 =	seq.s32 @!p0 s5, $0x0  }
0x1f: {  	s9 =	smul.u32 $0xF7A, s1;
	s8 =	simm.s32 @!p0 $0x1BF5;
	p2 =	por !p2, p0  }
0x20: {  	[sflag:s8] =	ssyncset.s32 @!p0 $0xFFFFF086;
	s6 =	sadd.s32 @!p0 s3, s7;
	s7 =	simm.s32 @!p0 $0x108  }
0x21: {  	s3 =	sadd.s32 s3, s9;
	s6 =	sadd.s32 @!p0 $0x88, s6;
	s7 =	simm.s32 @p2 $0x1082  }
0x22: {  	[simem:s7], [sflag:s8] =	dma.local @!p0 [hbm:s6], $0xF7A  }
0x23: {  	s9 =	sor.u32 $0xD0000000, s2;
	s6 =	simm.s32 $0x108;
	_ =	swait.ge @!p0 [sflag:s8], $0x0  }
0x24: {  	s3 =	sadd.s32 $0x88, s3;
	s6 =	simm.s32 @!p1 $0x1082;
	[sflag:s4] =	ssyncset.s32 $0xFFFFF086  }
0x25: {  	[simem:s6], [sflag:s4] =	dma.local [hbm:s3], $0xF7A  }
0x26: {  	[smem:$0x3F95] =	sst s1;
	(tag) =	ssettag s2;
	_ =	strace s9  }
0x27: {  	s1 =	sld [smem:$0x3FA5]  }
0x28: {  	s2 =	sld [smem:$0x3FA6]  }
0x29: {  	s4 =	sld [smem:$0x3FA8]  }
0x2a: {  	p0 =	seq.s32 s5, $0x0;
	s5 =	sld [smem:$0x3FA9]  }
0x2b: {  	s6 =	sld [smem:$0x3FAA]  }
0x2c: {  	s7 =	sld [smem:$0x3FAB]  }
0x2d: {  	s3 =	simm.s32 $0x108;
	s8 =	sld [smem:$0x3FAC]  }
0x2e: {  	s3 =	simm.s32 @!p0 $0x1082;
	s9 =	sld [smem:$0x3FAD]  }
0x2f: {  	lr =	sadd.s32 s0, s3;
	s0 =	sld [smem:$0x3FA4]  }
0x30: {  	s3 =	sld [smem:$0x3FA7]  }
0x31: {  	[smem:$0x3FB0] =	sst s10  }
0x32: {  	s10 =	sld [smem:$0x3FAE];
	_ =	sdelay $0x3  }
0x33: {  	p0 =	seq.s32 s10, $0x1;
	s10 =	sld [smem:$0x3FB0];
	_ =	sdelay $0x3  }
0x34: {  	[smem:$0x3FB0] =	sst s10  }
0x35: {  	s10 =	sld [smem:$0x3FAF];
	_ =	sdelay $0x3  }
0x36: {  	p1 =	seq.s32 s10, $0x1;
	s10 =	sld [smem:$0x3FB0];
	_ =	sdelay $0x3  }
0x37: {  	[smem:$0x3FB0] =	sst s10  }
0x38: {  	s10 =	sld [smem:$0x3FB1]  }
0x39: {  	_ = 	snop;
	(pc) =	sbr.ind lr, $3  }
0x3a: {  	_ = 	snop  }
0x3b: {  	_ = 	snop  }
0x3c: {  	p2 =	seq.s32 s10, $0x1;
	s10 =	sld [smem:$0x3FB0]  }
0x3d: {  	_ =	shalt  }
0x3e: {  	_ =	shalt  }
0x3f: {  	_ =	shalt  }
0x40: {  	_ =	shalt  }
0x41: {  	_ =	shalt  }
0x42: {  	_ =	shalt  }
0x43: {  	_ =	shalt  }
0x44: {  	_ =	shalt  }
0x45: {  	_ =	shalt  }
0x46: {  	_ =	shalt  }
0x47: {  	_ =	shalt  }
0x48: {  	_ =	shalt  }
0x49: {  	_ =	shalt  }
0x4a: {  	_ =	shalt  }
0x4b: {  	_ =	shalt  }
0x4c: {  	_ =	shalt  }
0x4d: {  	_ =	shalt  }
0x4e: {  	_ =	shalt  }
0x4f: {  	_ =	shalt  }
0x50: {  	_ =	shalt  }
0x51: {  	_ =	shalt  }
0x52: {  	_ =	shalt  }
0x53: {  	_ =	shalt  }
0x54: {  	_ =	shalt  }
0x55: {  	_ =	shalt  }
0x56: {  	_ =	shalt  }
0x57: {  	_ =	shalt  }
0x58: {  	_ =	shalt  }
0x59: {  	_ =	shalt  }
0x5a: {  	_ =	shalt  }
0x5b: {  	_ =	shalt  }
0x5c: {  	_ =	shalt  }
0x5d: {  	_ =	shalt  }
0x5e: {  	_ =	shalt  }
0x5f: {  	_ =	shalt  }
0x60: {  	_ =	shalt  }
0x61: {  	_ =	shalt  }
0x62: {  	_ =	shalt  }
0x63: {  	_ =	shalt  }
0x64: {  	_ =	shalt  }
0x65: {  	_ =	shalt  }
0x66: {  	_ =	shalt  }
0x67: {  	_ =	shalt  }
0x68: {  	_ =	shalt  }
0x69: {  	_ =	shalt  }
0x6a: {  	_ =	shalt  }
0x6b: {  	_ =	shalt  }
0x6c: {  	_ =	shalt  }
0x6d: {  	_ =	shalt  }
0x6e: {  	_ =	shalt  }
0x6f: {  	_ =	shalt  }
0x70: {  	_ =	shalt  }
0x71: {  	_ =	shalt  }
0x72: {  	_ =	shalt  }
0x73: {  	_ =	shalt  }
0x74: {  	_ =	shalt  }
0x75: {  	_ =	shalt  }
0x76: {  	_ =	shalt  }
0x77: {  	_ =	shalt  }
0x78: {  	_ =	shalt  }
0x79: {  	_ =	shalt  }
0x7a: {  	_ =	shalt  }
0x7b: {  	_ =	shalt  }
0x7c: {  	_ =	shalt  }
0x7d: {  	_ =	shalt  }
0x7e: {  	_ =	shalt  }
0x7f: {  	_ =	shalt  }
0x80: {  	_ =	shalt  }
0x81: {  	_ =	shalt  }
0x82: {  	_ =	shalt  }
0x83: {  	_ =	shalt  }
0x84: {  	_ =	shalt  }
0x85: {  	_ =	shalt  }
0x86: {  	_ =	shalt  }
0x87: {  	_ =	shalt  }
.Lfunc_end0:
.L_simem_size_0:
called_computation_lowered:
.L_overlay_start_0:
0x88: {  	s2 =	sld [smem:$0x3FD9]  }
0x89: {  	s3 =	sld [smem:$0x3FFE];
	_ =	sdelay $0x1  }
0x8a: {  	s1 =	srdreg.scid  }
0x8b: {  	s0 =	sand.u32 $0x1, s1  }
0x8c: {  	s17 =	sshll.u32 s0, $0xA;
	s2 =	sadd.s32 s3, s2  }
0x8d: {  	s2 =	sadd.s32 s2, s17  }
0x8e: {  	[smem:$0x3FBC] =	sst s2  }
0x8f: {  	_ = 	snop  }
0x90: {  	s2 =	sld [smem:$0x3FD0];
	(tm) =	ssettm $0x1  }
0x91: {  	s18 =	sld [smem:$0x3FFB];
	_ =	sdelay $0x3  }
0x92: {  	_ =	strace s18  }
0x93: {  	s3 =	sld [smem:$0x3FFC];
	_ =	sdelay $0x3  }
0x94: {  	_ =	strace s3  }
0x95: {  	s3 =	sld [smem:$0x3FFD];
	_ =	sdelay $0x3  }
0x96: {  	_ =	strace s3  }
0x97: {  	_ =	strace $0x8FFFFFFF  }
0x98: {  	s19 =	sld [smem:$0x3FDB];
	_ =	sdelay $0x1  }
0x99: {  	s4 =	simm.s32 $_scs_section_size  }
0x9a: {  	s5 =	simm.s32 $_size__tile_overlayer_lowered;
	s6 =	simm.s32 $_tile_overlayer_lowered  }
0x9b: {  	s22 =	simm.s32 $0x1BFF;
	s21 =	sshll.u32 s6, $0x1;
	s3 =	sadd.s32 s4, s19  }
0x9c: {  	s7 =	simm.s32 $0x0;
	s20 =	sshll.u32 s5, $0x1;
	s5 =	sadd.s32 s21, s3  }
0x9d: {  	[timem:s7], [sflag:s22] =	dma.local [hbm:s5], s20  }
0x9e: {  	_ =	swait.ge [sflag:s22], s20  }
0x9f: {  	s4 =	ssub.s32 $0x0, s20;
	[sflag:s22] =	ssyncset.done $0x0  }
0xa0: {  	[sflag:s22] =	ssyncadd.s32 s4;
	_ =	sdelay $0x1  }
0xa1: {  	s23 =	simm.s32 $0x1B8B  }
0xa2: {  	_ =	swait.ge [sflag:s23], $0x1  }
0xa3: {  	[sflag:s23] =	ssyncset.done $0x0  }
0xa4: {  	s25 =	simm.s32 $0x1B8E;
	s24 =	sld [smem:$0x3FFE];
	[sflag:s23] =	ssyncadd.s32 $0xFFFFFFFF  }
0xa5: {  	s26 =	simm.s32 $execute0_lowered;
	[smem:$0x3FD2] =	sst s25  }
0xa6: {  	s5 =	sshll.u32 s26, $0x1;
	_ =	strace $0x80000046;
	[dreg:$0x1] =	wrdreg $0xFFFFFFFF  }
0xa7: {  	s28 =	simm.s32 $_size_execute0_lowered;
	s3 =	sadd.s32 s3, s5;
	[dreg:$0x0] =	wrdreg $0x0  }
0xa8: {  	s5 =	sshll.u32 s28, $0x1;
	[dreg:$0x2] =	wrdreg s3  }
0xa9: {  	[dreg:$0x3] =	wrdreg s5  }
0xaa: {  	[dreg:$0x4] =	wrdreg $0xC0  }
0xab: {  	_ =	task [dreg:s7], $0x5FFFF  }
0xac: {  	[dreg:$0x1] =	wrdreg $0xFFFFFFFF  }
0xad: {  	[dreg:$0x0] =	wrdreg $0x60  }
0xae: {  	[dreg:$0x2] =	wrdreg s2  }
0xaf: {  	[dreg:$0x3] =	wrdreg s24  }
0xb0: {  	[dreg:$0x4] =	wrdreg $0x70800  }
0xb1: {  	[dreg:$0x5] =	wrdreg $0x1B0800  }
0xb2: {  	[dreg:$0x6] =	wrdreg $0x9  }
0xb3: {  	_ =	task.clear_ibuf [dreg:s7], $0x7FFFF;
	_ =	strace $0x90000046  }
0xb4: {  	s29 =	simm.s32 $0x9;
	_ =	strace $0x80000048  }
0xb5: {  	_ =	swait.ge [sflag:s29], $0x1  }
0xb6: {  	[sflag:s29] =	ssyncadd.s32 $0xFFFFFFFF  }
0xb7: {  	_ =	strace $0x90000048  }
0xb8: {  	_ =	sfence  }
0xb9: {  	s30 =	sld [smem:$0x0];
	_ =	sdelay $0x2  }
0xba: {  	s31 =	sshll.u32 s1, $0xD;
	s1 =	sshrl.u32 s1, $0x2  }
0xbb: {  	s3 =	sand.u32 $0x4000, s31;
	s1 =	sadd.s32 s1, s30  }
0xbc: {  	s0 =	sor.u32 s3, s0;
	s1 =	sshll.u32 s1, $0x11  }
0xbd: {  	s0 =	sor.u32 s1, s0  }
0xbe: {  	s0 =	sadd.s32 $0x8F2B, s0  }
0xbf: {  	[sflag:s0] =	ssyncadd.remote.s32 $0x1  }
0xc0: {  	_ =	sfence.sel $0xFFFF  }
0xc1: {  	[dreg:$0x0] =	wrdreg $0xFFFFFFFF;
	(pc) =	sbr.abs _section_cstart, $3  }
0xc2: {  	[dreg:$0x1] =	wrdreg $0xFFFFFFFF  }
0xc3: {  	_ =	task.clear_ibuf [dreg:s7], $0x2FFFF;
	_ =	strace $0x9FFFFFFF  }
0xc4: {  	(tm) =	ssettm $0x7FFFFFFF  }
0xc5: {  	_ =	shalt  }
tec
execute0_lowered:
.L_overlay_start_1:
0x0: {  	(tag) =	ssettag $0x1  }
0x1: {  	s1 =	rddreg [dreg:$0x0]  }
0x2: {  	s0 =	rddreg [dreg:$0x1]  }
0x3: {  	s2 =	rddreg [dreg:$0x2]  }
0x4: {  	s3 =	rddreg [dreg:$0x3];
	s4 =	simm.s32 $0x0;
	s20 =	srdreg.scid  }
0x5: {  	s8 =	stileid.u32;
	s17 =	simm.s32 $0x3;
	s18 =	simm.s32 $0x2000  }
0x6: {  	s28 =	simm.s32 $0x2;
	s29 =	simm.s32 $0x1B00;
	s30 =	simm.s32 $0x780  }
0x7: {  	s31 =	simm.s32 $0x1B80;
	[smem:$0x7FF] =	sst s4;
	s4 =	sand.u32 $0x1, s20  }
0x8: {  	s5 =	sadd.s32 $0xC600, s0;
	s6 =	sadd.s32 $0x2800, s0;
	s21 =	smul.u32 $0x50000, s8  }
0x9: {  	s9 =	sadd.s32 $0x16C00, s0;
	s10 =	sadd.s32 $0x16600, s0;
	s11 =	smul.u32 $0x2710, s8  }
0xa: {  	s22 =	sadd.s32 $0x16400, s0;
	s14 =	sadd.s32 $0x19E00, s0;
	s13 =	smul.u32 $0x4E000, s8  }
0xb: {  	s15 =	smul.u32 $0x2700, s8;
	s25 =	sshll.u32 s8, $0x6;
	p0 =	sne.s32 s8, $0x0  }
0xc: {  	p1 =	seq.s32 s8, $0x0;
	_ =	strace $0x80000047;
	[dreg:$0x5] =	wrdreg s9  }
0xd: {  	s20 =	simm.s32 $0x800;
	s7 =	smul.u32 $0x500, s4;
	[dreg:$0x6] =	wrdreg s10  }
0xe: {  	[dreg:$0x7] =	wrdreg s22;
	s12 =	smul.u32 $0x27100, s4;
	s23 =	ssub.s32 $0x2, s4  }
0xf: {  	s4 =	smul.u32 $0x138800, s4;
	s10 =	sor.u32 $0x1C03, s25;
	s19 =	sshrl.u32 @!p0 s3, $0x3  }
0x10: {  	p2 =	sne.s32 @!p1 s8, $0xF;
	s22 =	simm.s32 $0x2080;
	s24 =	sshrl.u32 s23, $0x1  }
0x11: {  	s9 =	sshrl.u32 s21, $0x2;
	s13 =	sshrl.u32 s13, $0x2;
	s21 =	simm.s32 $0x50  }
0x12: {  	p2 =	por p2, p1;
	s0 =	sadd.s32 s7, s0;
	s7 =	ssub.s32 s23, s24  }
0x13: {  	s9 =	sadd.s32 s9, s2;
	s11 =	sadd.s32 s11, s12;
	s24 =	sadd.s32 s13, s2  }
0x14: {  	s12 =	sadd.s32 s15, s12;
	s4 =	sshrl.u32 s4, $0x3;
	s23 =	simm.s32 $0x4880  }
0x15: {  	s12 =	sadd.s32 s14, s12;
	s0 =	sadd.s32 $0x19400, s0;
	s26 =	sadd.s32 s14, s4  }
0x16: {  	s4 =	sadd.s32 $0x138000, s2;
	s15 =	smax.u32 s7, $0x1;
	[dreg:$0x8] =	wrdreg s12  }
0x17: {  	s16 =	sshrl.u32 s9, $0x3;
	s24 =	sshrl.u32 s24, $0x3;
	[dreg:$0x9] =	wrdreg s0  }
0x18: {  	s0 =	sadd.s32 $0x27000, s26;
	s25 =	sshrl.u32 @!p2 s4, $0x3;
	s26 =	simm.s32 $0x1  }
0x19: {  	s4 =	simm.s32 $0x0;
	[dreg:$0xa] =	wrdreg s0;
	s0 =	simm.s32 $0x1C00  }
.LBB2_1:
0x1a: {  	s7 =	rddreg [dreg:$0x5]  }
0x1b: {  	[spmem:s16], [sflag:s10] =	dma.local [hbm:s7], $0x2800  }
0x1c: {  	_ =	swait.ge [sflag:s17], $0x2800  }
0x1d: {  	[sflag:s17] =	ssyncset.done $0x0  }
0x1e: {  	s14 =	simm.s32 $0x0;
	s8 =	rddreg [dreg:$0x7];
	[sflag:s17] =	ssyncadd.s32 $0xFFFFD800  }
0x1f: {  	[tilespmem:s18], [sflag:$0x3] =	stream.linear.gather [hbm4b:s8+s14], $0x80, $0x38;
	[tilespmem:$0x1B300] =	vst v63  }
0x20: {  	_ =	swait.ge [sflag:s17], $0x80  }
0x21: {  	[sflag:s17] =	ssyncset.done $0x0  }
0x22: {  	s7 =	rddreg [dreg:$0x6];
	[sflag:s17] =	ssyncadd.s32 $0xFFFFFF80  }
0x23: {  	[spmem:s19], [sflag:s10] =	dma.local @!p0 [hbm:s7], $0x500  }
0x24: {  	s7 =	simm.s32 @!p0 $0x3  }
0x25: {  	_ =	swait.ge @!p0 [sflag:s7], $0x500  }
0x26: {  	[sflag:s7] =	ssyncset.done @!p0 $0x0  }
0x27: {  	[sflag:s7] =	ssyncadd.s32 @!p0 $0xFFFFFB00  }
0x28: {  	s7 =	simm.s32 $0x0;
	[bflag:$0x0] =	sbarrier.arrive $0xFFFF  }
.LBB2_2:
0x29: {  	s8 =	smul.u32 $0x7D0, s7;
	_ =	sdelay $0x1  }
0x2a: {  	s8 =	sadd.s32 s8, s11  }
0x2b: {  	s8 =	sshrl.u32 s8, $0x3  }
0x2c: {  	s12 =	simm.s32 $0x0;
	s9 =	sadd.s32 s5, s8  }
0x2d: {  	[tilespmem:s12], [sflag:$0x3] =	stream.linear.gather [hbm4b:s9+s12], $0x7D0, $0x38;
	[tilespmem:$0x1B300] =	vst v63  }
0x2e: {  	_ =	swait.ge [sflag:s17], $0x7D0  }
0x2f: {  	[sflag:s17] =	ssyncset.done $0x0  }
0x30: {  	s8 =	sadd.s32 s6, s8;
	[sflag:s17] =	ssyncadd.s32 $0xFFFFF830  }
0x31: {  	[tilespmem:s20], [sflag:$0x3] =	stream.linear.gather [hbm4b:s8+s12], $0x7D0, $0x38;
	[tilespmem:$0x1B300] =	vst v63  }
0x32: {  	_ =	swait.ge [sflag:s17], $0x7D0  }
0x33: {  	[sflag:s17] =	ssyncset.done $0x0  }
0x34: {  	s14 =	simm.s32 $0x0;
	[sflag:s17] =	ssyncadd.s32 $0xFFFFF830  }
0x35: {  	v0 =	vld [tilespmem:s14+$0x800];
	_ =	sdelay $0x3  }
0x36: {  	s8 =	simm.s32 $0x1020  }
0x37: {  	[tilespmem:s8+$0xFFFFFFE0] =	vst v0  }
0x38: {  	v0 =	vld [tilespmem:s14+$0x810];
	_ =	sdelay $0x4  }
0x39: {  	[tilespmem:s8+$0xFFFFFFF0] =	vst v0  }
0x3a: {  	v0 =	vld [tilespmem:s14+$0x820];
	_ =	sdelay $0x4  }
0x3b: {  	[tilespmem:s8+$0x0] =	vst v0  }
0x3c: {  	v0 =	vld [tilespmem:s14+$0x830];
	_ =	sdelay $0x4  }
0x3d: {  	[tilespmem:s8+$0x10] =	vst v0  }
0x3e: {  	v0 =	vld [tilespmem:s14+$0x840];
	_ =	sdelay $0x4  }
0x3f: {  	s9 =	simm.s32 $0x50;
	s12 =	simm.s32 $0x280;
	[tilespmem:s8+$0x20] =	vst v0  }
.LBB2_3:
0x40: {  	p3 =	sne.s32 s12, $0x1E00;
	v0 =	vld [tilespmem:s9+$0x800];
	_ =	sdelay $0x3  }
0x41: {  	s8 =	sadd.s32 $0x80, s8  }
0x42: {  	[tilespmem:s8+$0xFFFFFFE0] =	vst v0  }
0x43: {  	v0 =	vld [tilespmem:s9+$0x810];
	_ =	sdelay $0x4  }
0x44: {  	[tilespmem:s8+$0xFFFFFFF0] =	vst v0  }
0x45: {  	v0 =	vld [tilespmem:s9+$0x820];
	_ =	sdelay $0x4  }
0x46: {  	[tilespmem:s8+$0x0] =	vst v0  }
0x47: {  	v0 =	vld [tilespmem:s9+$0x830];
	_ =	sdelay $0x4  }
0x48: {  	[tilespmem:s8+$0x10] =	vst v0  }
0x49: {  	v0 =	vld [tilespmem:s9+$0x840]  }
.Ltmp0:
0x4a: {  	(pc) =	sbr.rel @p3 .LBB2_3-.Ltmp0, $2  }
0x4b: {  	_ =	sdelay $0x2  }
0x4c: {  	s9 =	sshra.s32 s12, $0x2;
	s12 =	sadd.s32 $0x140, s12;
	[tilespmem:s8+$0x20] =	vst v0  }
0x4d: {  	v0 =	vld [tilespmem:s9+$0x800];
	_ =	sdelay $0x3  }
0x4e: {  	s8 =	sadd.s32 $0x80, s8  }
0x4f: {  	[tilespmem:s8+$0xFFFFFFE0] =	vst v0  }
0x50: {  	v0 =	vld [tilespmem:s9+$0x810];
	_ =	sdelay $0x4  }
0x51: {  	[tilespmem:s8+$0xFFFFFFF0] =	vst v0  }
0x52: {  	v0 =	vld [tilespmem:s9+$0x820];
	_ =	sdelay $0x4  }
0x53: {  	[tilespmem:s8+$0x0] =	vst v0  }
0x54: {  	v0 =	vld [tilespmem:s9+$0x830];
	_ =	sdelay $0x4  }
0x55: {  	[tilespmem:s8+$0x10] =	vst v0  }
0x56: {  	v0 =	vld [tilespmem:s9+$0x840];
	_ =	sdelay $0x4  }
0x57: {  	s9 =	simm.s32 $0x0;
	[tilespmem:s8+$0x20] =	vst v0  }
0x58: {  	[tilespmem:s22], [sflag:$0x1] =	stream.indirect.gather [hbm4b:s1+s21], $0x80, s9, s21, $0xb8;
	[tilespmem:$0x1B300] =	vst v63  }
0x59: {  	_ = 	snop  }
0x5a: {  	[tilespmem:s23], [sflag:$0x2] =	stream.indirect.gather [hbm4b:s1+s21], $0x80, s21, s21, $0xb8;
	[tilespmem:$0x1B300] =	vst v63  }
0x5b: {  	_ =	swait.ge [sflag:s26], $0x2800  }
0x5c: {  	[sflag:s26] =	ssyncset.done $0x0  }
0x5d: {  	s12 =	simm.s32 $0x1000;
	[sflag:s26] =	ssyncadd.s32 $0xFFFFD800  }
0x5e: {  	[spmem:s2] =	stream.indirect.scatter.add.f32 [tilespmem:s22], [sflag:$0x3], $0x80, s12, s21, $0xb8;
	[tilespmem:$0x1B300] =	vst v63  }
0x5f: {  	_ =	swait.ge [sflag:s17], $0x2800  }
0x60: {  	[sflag:s17] =	ssyncset.done $0x0  }
0x61: {  	[sflag:s17] =	ssyncadd.s32 $0xFFFFD800  }
0x62: {  	[spmem:s3] =	stream.indirect.scatter.add.f32 [tilespmem:s18], [sflag:$0x3], $0x1, s12, s21, $0xb8;
	[tilespmem:$0x1B300] =	vst v63  }
0x63: {  	_ =	swait.ge [sflag:s17], $0x50  }
0x64: {  	[sflag:s17] =	ssyncset.done $0x0  }
0x65: {  	s13 =	simm.s32 $0xA0;
	[sflag:s17] =	ssyncadd.s32 $0xFFFFFFB0  }
0x66: {  	[tilespmem:s22], [sflag:$0x1] =	stream.indirect.gather [hbm4b:s1+s21], $0x80, s13, s21, $0xb8;
	[tilespmem:$0x1B300] =	vst v63  }
0x67: {  	_ =	swait.ge [sflag:s28], $0x2800  }
0x68: {  	[sflag:s28] =	ssyncset.done $0x0  }
0x69: {  	s14 =	simm.s32 $0x1080;
	[sflag:s28] =	ssyncadd.s32 $0xFFFFD800  }
0x6a: {  	[spmem:s2] =	stream.indirect.scatter.add.f32 [tilespmem:s23], [sflag:$0x3], $0x80, s14, s21, $0xb8;
	[tilespmem:$0x1B300] =	vst v63  }
0x6b: {  	_ =	swait.ge [sflag:s17], $0x2800  }
0x6c: {  	[sflag:s17] =	ssyncset.done $0x0  }
0x6d: {  	[sflag:s17] =	ssyncadd.s32 $0xFFFFD800  }
0x6e: {  	[spmem:s3] =	stream.indirect.scatter.add.f32 [tilespmem:s18], [sflag:$0x3], $0x1, s14, s21, $0xb8;
	[tilespmem:$0x1B300] =	vst v63  }
0x6f: {  	_ =	swait.ge [sflag:s17], $0x50  }
0x70: {  	s8 =	simm.s32 $0xF0;
	[sflag:s17] =	ssyncset.done $0x0  }
0x71: {  	s9 =	simm.s32 $0x400;
	s12 =	simm.s32 $0x190;
	[sflag:s17] =	ssyncadd.s32 $0xFFFFFFB0  }
.LBB2_5:
0x72: {  	[tilespmem:s23], [sflag:$0x2] =	stream.indirect.gather [hbm4b:s1+s21], $0x80, s8, s21, $0xb8;
	[tilespmem:$0x1B300] =	vst v63  }
0x73: {  	s13 =	smov.u32 s9;
	s8 =	smov.u32 s12  }
0x74: {  	p3 =	sne.s32 s9, $0x2800;
	s9 =	sadd.s32 $0x400, s9;
	_ =	swait.ge [sflag:s26], $0x2800  }
0x75: {  	s13 =	sshra.s32 s13, $0x2;
	[sflag:s26] =	ssyncset.done $0x0  }
0x76: {  	s14 =	sadd.s32 $0x1000, s13;
	[sflag:s26] =	ssyncadd.s32 $0xFFFFD800  }
0x77: {  	[spmem:s2] =	stream.indirect.scatter.add.f32 [tilespmem:s22], [sflag:$0x3], $0x80, s14, s21, $0xb8;
	[tilespmem:$0x1B300] =	vst v63  }
0x78: {  	_ =	swait.ge [sflag:s17], $0x2800  }
0x79: {  	[sflag:s17] =	ssyncset.done $0x0  }
0x7a: {  	[sflag:s17] =	ssyncadd.s32 $0xFFFFD800  }
0x7b: {  	[spmem:s3] =	stream.indirect.scatter.add.f32 [tilespmem:s18], [sflag:$0x3], $0x1, s14, s21, $0xb8;
	[tilespmem:$0x1B300] =	vst v63  }
0x7c: {  	_ =	swait.ge [sflag:s17], $0x50  }
0x7d: {  	[sflag:s17] =	ssyncset.done $0x0  }
0x7e: {  	s14 =	sadd.s32 $0xFFFFFFB0, s12;
	[sflag:s17] =	ssyncadd.s32 $0xFFFFFFB0  }
0x7f: {  	[tilespmem:s22], [sflag:$0x1] =	stream.indirect.gather [hbm4b:s1+s21], $0x80, s14, s21, $0xb8;
	[tilespmem:$0x1B300] =	vst v63  }
0x80: {  	_ =	swait.ge [sflag:s28], $0x2800  }
0x81: {  	[sflag:s28] =	ssyncset.done $0x0  }
0x82: {  	s13 =	sadd.s32 $0x1080, s13;
	[sflag:s28] =	ssyncadd.s32 $0xFFFFD800  }
0x83: {  	[spmem:s2] =	stream.indirect.scatter.add.f32 [tilespmem:s23], [sflag:$0x3], $0x80, s13, s21, $0xb8;
	[tilespmem:$0x1B300] =	vst v63  }
0x84: {  	_ =	swait.ge [sflag:s17], $0x2800  }
0x85: {  	[sflag:s17] =	ssyncset.done $0x0  }
.Ltmp1:
0x86: {  	[sflag:s17] =	ssyncadd.s32 $0xFFFFD800;
	(pc) =	sbr.rel @p3 .LBB2_5-.Ltmp1, $4  }
0x87: {  	[spmem:s3] =	stream.indirect.scatter.add.f32 [tilespmem:s18], [sflag:$0x3], $0x1, s13, s21, $0xb8;
	[tilespmem:$0x1B300] =	vst v63  }
0x88: {  	_ =	swait.ge [sflag:s17], $0x50  }
0x89: {  	[sflag:s17] =	ssyncset.done $0x0  }
0x8a: {  	s12 =	sadd.s32 $0xA0, s12;
	[sflag:s17] =	ssyncadd.s32 $0xFFFFFFB0  }
0x8b: {  	[tilespmem:s23], [sflag:$0x2] =	stream.indirect.gather [hbm4b:s1+s21], $0x80, s8, s21, $0xb8;
	[tilespmem:$0x1B300] =	vst v63  }
0x8c: {  	_ =	swait.ge [sflag:s26], $0x2800  }
0x8d: {  	[sflag:s26] =	ssyncset.done $0x0  }
0x8e: {  	[sflag:s26] =	ssyncadd.s32 $0xFFFFD800  }
0x8f: {  	[spmem:s2] =	stream.indirect.scatter.add.f32 [tilespmem:s22], [sflag:$0x3], $0x80, s29, s21, $0xb8;
	[tilespmem:$0x1B300] =	vst v63  }
0x90: {  	_ =	swait.ge [sflag:s17], $0x2800  }
0x91: {  	[sflag:s17] =	ssyncset.done $0x0  }
0x92: {  	[sflag:s17] =	ssyncadd.s32 $0xFFFFD800  }
0x93: {  	[spmem:s3] =	stream.indirect.scatter.add.f32 [tilespmem:s18], [sflag:$0x3], $0x1, s29, s21, $0xb8;
	[tilespmem:$0x1B300] =	vst v63  }
0x94: {  	_ =	swait.ge [sflag:s17], $0x50  }
0x95: {  	[sflag:s17] =	ssyncset.done $0x0  }
0x96: {  	[sflag:s17] =	ssyncadd.s32 $0xFFFFFFB0  }
0x97: {  	[tilespmem:s22], [sflag:$0x1] =	stream.indirect.gather [hbm4b:s1+s21], $0x80, s30, s21, $0xb8;
	[tilespmem:$0x1B300] =	vst v63  }
0x98: {  	_ =	swait.ge [sflag:s28], $0x2800  }
0x99: {  	[sflag:s28] =	ssyncset.done $0x0  }
0x9a: {  	[sflag:s28] =	ssyncadd.s32 $0xFFFFD800  }
0x9b: {  	[spmem:s2] =	stream.indirect.scatter.add.f32 [tilespmem:s23], [sflag:$0x3], $0x80, s31, s21, $0xb8;
	[tilespmem:$0x1B300] =	vst v63  }
0x9c: {  	_ =	swait.ge [sflag:s17], $0x2800  }
0x9d: {  	[sflag:s17] =	ssyncset.done $0x0  }
0x9e: {  	[sflag:s17] =	ssyncadd.s32 $0xFFFFD800  }
0x9f: {  	[spmem:s3] =	stream.indirect.scatter.add.f32 [tilespmem:s18], [sflag:$0x3], $0x1, s31, s21, $0xb8;
	[tilespmem:$0x1B300] =	vst v63  }
0xa0: {  	_ =	swait.ge [sflag:s17], $0x50  }
0xa1: {  	[sflag:s17] =	ssyncset.done $0x0  }
0xa2: {  	[sflag:s17] =	ssyncadd.s32 $0xFFFFFFB0  }
0xa3: {  	_ =	swait.ge [sflag:s26], $0x2800  }
0xa4: {  	[sflag:s26] =	ssyncset.done $0x0  }
0xa5: {  	[sflag:s26] =	ssyncadd.s32 $0xFFFFD800  }
0xa6: {  	[spmem:s2] =	stream.indirect.scatter.add.f32 [tilespmem:s22], [sflag:$0x3], $0x80, s0, s21, $0xb8;
	[tilespmem:$0x1B300] =	vst v63  }
0xa7: {  	s7 =	sadd.s32 $0x1, s7;
	_ =	swait.ge [sflag:s17], $0x2800  }
0xa8: {  	p3 =	sne.s32 s7, $0x5;
	[sflag:s17] =	ssyncset.done $0x0  }
.Ltmp2:
0xa9: {  	[sflag:s17] =	ssyncadd.s32 $0xFFFFD800;
	(pc) =	sbr.rel @p3 .LBB2_2-.Ltmp2, $4  }
0xaa: {  	[spmem:s3] =	stream.indirect.scatter.add.f32 [tilespmem:s18], [sflag:$0x3], $0x1, s0, s21, $0xb8;
	[tilespmem:$0x1B300] =	vst v63  }
0xab: {  	_ =	swait.ge [sflag:s17], $0x50  }
0xac: {  	[sflag:s17] =	ssyncset.done $0x0  }
0xad: {  	[sflag:s17] =	ssyncadd.s32 $0xFFFFFFB0  }
0xae: {  	[bflag:$0x0] =	sbarrier.arrive $0xFFFF  }
0xaf: {  	s7 =	rddreg [dreg:$0x8]  }
0xb0: {  	[hbm:s7], [sflag:s10] =	dma.local [spmem:s24], $0x2700  }
0xb1: {  	_ =	swait.ge [sflag:s17], $0x2700  }
0xb2: {  	[sflag:s17] =	ssyncset.done $0x0  }
0xb3: {  	s7 =	sshrl.u32 @p1 s3, $0x3;
	s8 =	rddreg [dreg:$0x9];
	[sflag:s17] =	ssyncadd.s32 $0xFFFFD900  }
0xb4: {  	[hbm:s8], [sflag:s10] =	dma.local @p1 [spmem:s7], $0x500  }
0xb5: {  	s7 =	simm.s32 @p1 $0x3  }
0xb6: {  	_ =	swait.ge @p1 [sflag:s7], $0x500  }
0xb7: {  	s4 =	sadd.s32 $0x1, s4;
	[sflag:s7] =	ssyncset.done @p1 $0x0  }
0xb8: {  	p3 =	sne.s32 s4, s15;
	[sflag:s7] =	ssyncadd.s32 @p1 $0xFFFFFB00;
	s7 =	rddreg [dreg:$0xa]  }
0xb9: {  	[hbm:s7], [sflag:s10] =	dma.local @!p2 [spmem:s25], $0x100  }
.Ltmp3:
0xba: {  	_ = 	snop;
	(pc) =	sbr.rel @p3 .LBB2_1-.Ltmp3, $4  }
0xbb: {  	s7 =	simm.s32 @!p2 $0x3  }
0xbc: {  	_ =	swait.ge @!p2 [sflag:s7], $0x100  }
0xbd: {  	[sflag:s7] =	ssyncset.done @!p2 $0x0  }
0xbe: {  	[sflag:s7] =	ssyncadd.s32 @!p2 $0xFFFFFF00  }
0xbf: {  	_ =	sfence.sel $0x180000  }
0xc0: {  	[bflag:$0x0] =	sbarrier.arrive $0xFFFF  }
0xc1: {  	_ =	strace $0x90000047  }
0xc2: {  	[bflag:$0x2] =	sbarrier.arrive $0xFFFF  }
0xc3: {  	s0 =	rddreg [dreg:$0x4]  }
0xc4: {  	s0 =	sadd.s32 @!p0 $0x100000, s0  }
0xc5: {  	[sflag:s0] =	ssyncadd.tile.s32 @!p0 $0x1;
	_ =	shalt  }
.Lfunc_end2:
_tile_overlayer_lowered:
.L_overlay_start_2:
0xc6: {  	(tag) =	ssettag $0x2  }
0xc7: {  	s0 =	rddreg [dreg:$0x0];
	s2 =	stileid.u32  }
0xc8: {  	s1 =	rddreg [dreg:$0x1];
	p0 =	sne.s32 s2, $0x0  }
0xc9: {  	s3 =	rddreg [dreg:$0x2];
	[bflag:$0x3] =	sbarrier.arrive $0xFFFF;
	s2 =	simm.s32 @!p0 $0x1C03  }
0xca: {  	[timem:s3], [sflag:s2] =	dma.local @!p0 [hbm:s0], s1  }
0xcb: {  	s0 =	simm.s32 @!p0 $0x3  }
0xcc: {  	_ =	swait.ge @!p0 [sflag:s0], s1  }
0xcd: {  	s1 =	ssub.s32 @!p0 $0x0, s1;
	[sflag:s0] =	ssyncset.done @!p0 $0x0  }
0xce: {  	[sflag:s0] =	ssyncadd.s32 @!p0 s1  }
0xcf: {  	[bflag:$0x3] =	sbarrier.arrive $0xFFFF  }
0xd0: {  	_ =	shalt  }

</sc_bundles>
